<compile_context>
chip_gen: v7x
topology: tpu7x:2x2x1
jax: 0.10.2.dev20260603
libtpu: 0.0.44.dev20260713+nightly
codegen_flags: <defaults>
</compile_context>

<pallas_src>
import functools

import jax
import jax.numpy as jnp
from jax import lax
from jax.experimental import pallas as pl
from jax.experimental.pallas import tpu as pltpu
from jax.experimental.pallas import tpu_sc as plsc

_V = 601
_VP = 640
_C = 27
_CP = 32
_B = 16384
_RPW = _VP // 16


@functools.cache
def _make_kernel():
    info = plsc.get_sparse_core_info()
    num_workers = info.num_cores * info.num_subcores
    bpw = _B // num_workers
    mesh = plsc.VectorSubcoreMesh(core_axis_name="c", subcore_axis_name="s")

    @functools.partial(
        pl.kernel,
        mesh=mesh,
        out_type=jax.ShapeDtypeStruct((_B, _CP), jnp.float32),
        scratch_types=[
            pltpu.VMEM((_RPW * _C + 16,), jnp.float32),
            pltpu.VMEM((_RPW, _CP), jnp.float32),
            pltpu.VMEM_SHARED((_VP, _CP), jnp.float32),
            pltpu.VMEM((bpw,), jnp.int32),
            pltpu.VMEM((bpw, _CP), jnp.float32),
            pltpu.SemaphoreType.DMA,
        ],
        compiler_params=pltpu.CompilerParams(
            use_tc_tiling_on_sc=False, needs_layout_passes=False,
            skip_device_barrier=True),
    )
    def fused_kernel(w_hbm, idx_hbm, out_hbm, w_v, p_v, table_sh, idx_v,
                     rows_v, sem):
        cid = lax.axis_index("c")
        sid = lax.axis_index("s")
        wid = sid * info.num_cores + cid

        pltpu.sync_copy(
            w_hbm.at[pl.ds(sid * (_RPW * _C), _RPW * _C)],
            w_v.at[pl.ds(0, _RPW * _C)],
        )
        pltpu.sync_copy(idx_hbm.at[pl.ds(wid * bpw, bpw)], idx_v)

        lane = lax.broadcasted_iota(jnp.int32, (16,), 0)
        tail_mask = lane < (_C - 16)
        for r in range(_RPW):
            x1 = w_v[pl.ds(r * _C, 16)]
            x2 = w_v[pl.ds(r * _C + 16, 16)]
            e1 = jnp.exp(x1)
            e2 = jnp.where(tail_mask, jnp.exp(x2), 0.0)
            total = jnp.sum(e1) + jnp.sum(e2)
            row = jnp.full((16,), r, jnp.int32)
            plsc.store_scatter(p_v, [row, lane], e1 / total)
            plsc.store_scatter(p_v, [row, lane + 16], e2 / total,
                               mask=tail_mask)

        pltpu.sync_copy(p_v, table_sh.at[pl.ds(sid * _RPW, _RPW)])
        plsc.subcore_barrier()

        pltpu.async_copy(table_sh.at[idx_v], rows_v, sem).wait()
        pltpu.sync_copy(rows_v, out_hbm.at[pl.ds(wid * bpw, bpw)])

    return fused_kernel


@jax.jit
def kernel(bigram_idx, W):
    w_flat = jnp.pad(W.reshape(-1), (0, _VP * _C - _V * _C))
    out = _make_kernel()(w_flat, bigram_idx.astype(jnp.int32))
    return out[:, :_C]

# --- scband reference (transcript-rebuilt; emitter-appended) ---
"""Pipeline reference for scband-trigram-module-vanilla-86114094285207 (READ-ONLY COPY).

The authoritative reference and input builder live on the scoring server;
editing this copy changes nothing except your own understanding.
"""

import jax, jax.numpy as jnp
import numpy as np


def setup_inputs(seed: int = 0) -> dict:
    key = jax.random.key(seed)
    k1, k2 = jax.random.split(key)
    bigram_idx = jax.random.randint(k1, (16384,), 0, 601, dtype=jnp.int64 if jax.config.jax_enable_x64 else jnp.int32)
    W = jax.random.normal(k2, (601, 27), dtype=jnp.float32)
    return {"bigram_idx": bigram_idx, "W": W}


def reference(bigram_idx, W):
    # Faithful translation: one-hot encode then dense matmul (as in the torch module),
    # rather than simplifying to a gather.
    bigram_enc = jax.nn.one_hot(bigram_idx, 601, dtype=jnp.float32)
    logits = bigram_enc @ W
    counts = jnp.exp(logits)
    probs = counts / counts.sum(axis=1, keepdims=True)
    return probs

if __name__ == "__main__":
    import jax
    _d = setup_inputs()
    print(jax.jit(kernel)(*tuple(_d.values())))

</pallas_src>

<mosaic_0001>
#map = affine_map<(d0, d1) -> (0)>
#map1 = affine_map<(d0, d1) -> (0, 0)>
module attributes {stable_mosaic.version = 14 : i64} {
  func.func @fused_kernel(%arg0: i32, %arg1: i32, %arg2: memref<17280xf32, #tpu.memory_space<hbm>>, %arg3: memref<16384xi32, #tpu.memory_space<hbm>>, %arg4: memref<16384x32xf32, #tpu.memory_space<hbm>>, %arg5: memref<1096xf32, #tpu.memory_space<vmem>>, %arg6: memref<40x32xf32, #tpu.memory_space<vmem>>, %arg7: memref<640x32xf32, #tpu.memory_space<vmem_shared>>, %arg8: memref<512xi32, #tpu.memory_space<vmem>>, %arg9: memref<512x32xf32, #tpu.memory_space<vmem>>, %arg10: memref<!tpu.dma_semaphore, #tpu.memory_space<semaphore_mem>>) attributes {dimension_semantics = [#tpu.dimension_semantics<core_parallel>, #tpu.dimension_semantics<subcore_parallel>], iteration_bounds = array<i64: 2, 16>, scalar_prefetch = 0 : i64, scratch_operands = 6 : i64, tpu.core_type = #tpu.core_type<sc_vector_subcore>, window_params = [{transform_indices = #map}, {transform_indices = #map}, {transform_indices = #map1}]} {
    %mul3A = arith.constant 2 : i32
    %mul3A_0 = arith.muli %arg1, %mul3A : i32
    %add3A = arith.addi %mul3A_0, %arg0 : i32
    %mul3A_1 = arith.constant 1080 : i32
    %mul3A_2 = arith.muli %arg1, %mul3A_1 : i32
    "tpu.region"() ({
      %run_scoped3A = tpu.sem_alloc : memref<!tpu.dma_semaphore, #tpu.memory_space<semaphore_mem>>
      %dma_start3A_1088 = arith.constant 0 : i32
      %dma_start3A_1089 = tpu.memref_slice %arg5[%dma_start3A_1088] : memref<1096xf32, #tpu.memory_space<vmem>> -> memref<1080xf32, #tpu.memory_space<vmem>>
      %dma_start3A_1090 = tpu.memref_slice %arg2[%mul3A_2] : memref<17280xf32, #tpu.memory_space<hbm>> -> memref<1080xf32, #tpu.memory_space<hbm>>
      %dma_start3A_1091 = arith.constant 0 : i32
      %dma_start3A_1092 = tpu.memref_slice %arg5[%dma_start3A_1091] : memref<1096xf32, #tpu.memory_space<vmem>> -> memref<1080xf32, #tpu.memory_space<vmem>>
      %dma_start3A_1093 = tpu.memref_slice %arg2[%mul3A_2] : memref<17280xf32, #tpu.memory_space<hbm>> -> memref<1080xf32, #tpu.memory_space<hbm>>
      tpu.enqueue_dma source(%dma_start3A_1093 : memref<1080xf32, #tpu.memory_space<hbm>>) target(%dma_start3A_1092 : memref<1080xf32, #tpu.memory_space<vmem>>) target_semaphore(%run_scoped3A : memref<!tpu.dma_semaphore, #tpu.memory_space<semaphore_mem>>)
      %dma_wait3A_1094 = arith.constant 0 : i32
      %dma_wait3A_1095 = tpu.memref_slice %arg5[%dma_wait3A_1094] : memref<1096xf32, #tpu.memory_space<vmem>> -> memref<1080xf32, #tpu.memory_space<vmem>>
      %dma_wait3A_1096 = tpu.memref_slice %arg2[%mul3A_2] : memref<17280xf32, #tpu.memory_space<hbm>> -> memref<1080xf32, #tpu.memory_space<hbm>>
      %dma_wait3A_1097 = arith.constant 0 : i32
      %dma_wait3A_1098 = tpu.memref_slice %arg5[%dma_wait3A_1097] : memref<1096xf32, #tpu.memory_space<vmem>> -> memref<1080xf32, #tpu.memory_space<vmem>>
      %dma_wait3A_1099 = tpu.memref_slice %arg2[%mul3A_2] : memref<17280xf32, #tpu.memory_space<hbm>> -> memref<1080xf32, #tpu.memory_space<hbm>>
      tpu.wait_dma2 semaphore(%run_scoped3A : memref<!tpu.dma_semaphore, #tpu.memory_space<semaphore_mem>>) src(%dma_wait3A_1099 : memref<1080xf32, #tpu.memory_space<hbm>>) dst(%dma_wait3A_1098 : memref<1080xf32, #tpu.memory_space<vmem>>)
      tpu.yield
    }) : () -> ()
    %mul3A_3 = arith.constant 512 : i32
    %mul3A_4 = arith.muli %add3A, %mul3A_3 : i32
    "tpu.region"() ({
      %run_scoped3A = tpu.sem_alloc : memref<!tpu.dma_semaphore, #tpu.memory_space<semaphore_mem>>
      %dma_start3A_1088 = tpu.memref_slice %arg3[%mul3A_4] : memref<16384xi32, #tpu.memory_space<hbm>> -> memref<512xi32, #tpu.memory_space<hbm>>
      %dma_start3A_1089 = tpu.memref_slice %arg3[%mul3A_4] : memref<16384xi32, #tpu.memory_space<hbm>> -> memref<512xi32, #tpu.memory_space<hbm>>
      tpu.enqueue_dma source(%dma_start3A_1089 : memref<512xi32, #tpu.memory_space<hbm>>) target(%arg8 : memref<512xi32, #tpu.memory_space<vmem>>) target_semaphore(%run_scoped3A : memref<!tpu.dma_semaphore, #tpu.memory_space<semaphore_mem>>)
      %dma_wait3A_1090 = tpu.memref_slice %arg3[%mul3A_4] : memref<16384xi32, #tpu.memory_space<hbm>> -> memref<512xi32, #tpu.memory_space<hbm>>
      %dma_wait3A_1091 = tpu.memref_slice %arg3[%mul3A_4] : memref<16384xi32, #tpu.memory_space<hbm>> -> memref<512xi32, #tpu.memory_space<hbm>>
      tpu.wait_dma2 semaphore(%run_scoped3A : memref<!tpu.dma_semaphore, #tpu.memory_space<semaphore_mem>>) src(%dma_wait3A_1091 : memref<512xi32, #tpu.memory_space<hbm>>) dst(%arg8 : memref<512xi32, #tpu.memory_space<vmem>>)
      tpu.yield
    }) : () -> ()
    %iota3A = tpu.iota {dimensions = array<i32: 0>} : vector<16xi32>
    %lt3A = arith.constant 11 : i32
    %lt3A_5 = vector.broadcast %lt3A : i32 to vector<16xi32>
    %lt3A_6 = arith.cmpi slt, %iota3A, %lt3A_5 : vector<16xi32>
    %get3A = arith.constant 0 : index
    %get3A_7 = tpu.vector_load %arg5[%get3A] {strides = array<i32>} : memref<1096xf32, #tpu.memory_space<vmem>>, vector<16xf32>,
    %get3A_8 = arith.constant 16 : index
    %get3A_9 = tpu.vector_load %arg5[%get3A_8] {strides = array<i32>} : memref<1096xf32, #tpu.memory_space<vmem>>, vector<16xf32>,
    %exp3A = math.exp %get3A_7 : vector<16xf32>
    %exp3A_10 = math.exp %get3A_9 : vector<16xf32>
    %jit3A = arith.constant 0.000000e+00 : f32
    %broadcast_in_dim3A = vector.broadcast %jit3A : f32 to vector<16xf32>
    %select_n3A = arith.select %lt3A_6, %exp3A_10, %broadcast_in_dim3A : vector<16xi1>, vector<16xf32>
    %reduce_sum3A = arith.constant true
    %reduce_sum3A_11 = vector.broadcast %reduce_sum3A : i1 to vector<16xi1>
    %reduce_sum3A_12 = tpu.scan <sum>, %exp3A masked %reduce_sum3A_11 : vector<16xf32>, vector<16xi1> -> vector<16xf32>
    %reduce_sum3A_13 = vector.extract %reduce_sum3A_12[15] : f32 from vector<16xf32>
    %reduce_sum3A_14 = arith.constant true
    %reduce_sum3A_15 = vector.broadcast %reduce_sum3A_14 : i1 to vector<16xi1>
    %reduce_sum3A_16 = tpu.scan <sum>, %select_n3A masked %reduce_sum3A_15 : vector<16xf32>, vector<16xi1> -> vector<16xf32>
    %reduce_sum3A_17 = vector.extract %reduce_sum3A_16[15] : f32 from vector<16xf32>
    %add3A_18 = arith.addf %reduce_sum3A_13, %reduce_sum3A_17 : f32
    %broadcast_in_dim3A_19 = arith.constant 0 : i32
    %broadcast_in_dim3A_20 = vector.broadcast %broadcast_in_dim3A_19 : i32 to vector<16xi32>
    %div3A = vector.broadcast %add3A_18 : f32 to vector<16xf32>
    %div3A_21 = arith.divf %exp3A, %div3A : vector<16xf32>
    tpu.vector_store_idx %arg6[%broadcast_in_dim3A_20, %iota3A], %div3A_21 : memref<40x32xf32, #tpu.memory_space<vmem>>[vector<16xi32>, vector<16xi32>], vector<16xf32>,
    %add3A_22 = arith.constant 16 : i32
    %add3A_23 = vector.broadcast %add3A_22 : i32 to vector<16xi32>
    %add3A_24 = arith.addi %iota3A, %add3A_23 : vector<16xi32>
    %div3A_25 = vector.broadcast %add3A_18 : f32 to vector<16xf32>
    %div3A_26 = arith.divf %select_n3A, %div3A_25 : vector<16xf32>
    tpu.vector_store_idx %arg6[%broadcast_in_dim3A_20, %add3A_24], %div3A_26 masked %lt3A_6 : memref<40x32xf32, #tpu.memory_space<vmem>>[vector<16xi32>, vector<16xi32>], vector<16xf32>, vector<16xi1>
    %get3A_27 = arith.constant 27 : index
    %get3A_28 = tpu.vector_load %arg5[%get3A_27] {strides = array<i32>} : memref<1096xf32, #tpu.memory_space<vmem>>, vector<16xf32>,
    %get3A_29 = arith.constant 43 : index
    %get3A_30 = tpu.vector_load %arg5[%get3A_29] {strides = array<i32>} : memref<1096xf32, #tpu.memory_space<vmem>>, vector<16xf32>,
    %exp3A_31 = math.exp %get3A_28 : vector<16xf32>
    %exp3A_32 = math.exp %get3A_30 : vector<16xf32>
    %jit3A_33 = arith.constant 0.000000e+00 : f32
    %broadcast_in_dim3A_34 = vector.broadcast %jit3A_33 : f32 to vector<16xf32>
    %select_n3A_35 = arith.select %lt3A_6, %exp3A_32, %broadcast_in_dim3A_34 : vector<16xi1>, vector<16xf32>
    %reduce_sum3A_36 = arith.constant true
    %reduce_sum3A_37 = vector.broadcast %reduce_sum3A_36 : i1 to vector<16xi1>
    %reduce_sum3A_38 = tpu.scan <sum>, %exp3A_31 masked %reduce_sum3A_37 : vector<16xf32>, vector<16xi1> -> vector<16xf32>
    %reduce_sum3A_39 = vector.extract %reduce_sum3A_38[15] : f32 from vector<16xf32>
    %reduce_sum3A_40 = arith.constant true
    %reduce_sum3A_41 = vector.broadcast %reduce_sum3A_40 : i1 to vector<16xi1>
    %reduce_sum3A_42 = tpu.scan <sum>, %select_n3A_35 masked %reduce_sum3A_41 : vector<16xf32>, vector<16xi1> -> vector<16xf32>
    %reduce_sum3A_43 = vector.extract %reduce_sum3A_42[15] : f32 from vector<16xf32>
    %add3A_44 = arith.addf %reduce_sum3A_39, %reduce_sum3A_43 : f32
    %broadcast_in_dim3A_45 = arith.constant 1 : i32
    %broadcast_in_dim3A_46 = vector.broadcast %broadcast_in_dim3A_45 : i32 to vector<16xi32>
    %div3A_47 = vector.broadcast %add3A_44 : f32 to vector<16xf32>
    %div3A_48 = arith.divf %exp3A_31, %div3A_47 : vector<16xf32>
    tpu.vector_store_idx %arg6[%broadcast_in_dim3A_46, %iota3A], %div3A_48 : memref<40x32xf32, #tpu.memory_space<vmem>>[vector<16xi32>, vector<16xi32>], vector<16xf32>,
    %add3A_49 = arith.constant 16 : i32
    %add3A_50 = vector.broadcast %add3A_49 : i32 to vector<16xi32>
    %add3A_51 = arith.addi %iota3A, %add3A_50 : vector<16xi32>
    %div3A_52 = vector.broadcast %add3A_44 : f32 to vector<16xf32>
    %div3A_53 = arith.divf %select_n3A_35, %div3A_52 : vector<16xf32>
    tpu.vector_store_idx %arg6[%broadcast_in_dim3A_46, %add3A_51], %div3A_53 masked %lt3A_6 : memref<40x32xf32, #tpu.memory_space<vmem>>[vector<16xi32>, vector<16xi32>], vector<16xf32>, vector<16xi1>
    %get3A_54 = arith.constant 54 : index
    %get3A_55 = tpu.vector_load %arg5[%get3A_54] {strides = array<i32>} : memref<1096xf32, #tpu.memory_space<vmem>>, vector<16xf32>,
    %get3A_56 = arith.constant 70 : index
    %get3A_57 = tpu.vector_load %arg5[%get3A_56] {strides = array<i32>} : memref<1096xf32, #tpu.memory_space<vmem>>, vector<16xf32>,
    %exp3A_58 = math.exp %get3A_55 : vector<16xf32>
    %exp3A_59 = math.exp %get3A_57 : vector<16xf32>
    %jit3A_60 = arith.constant 0.000000e+00 : f32
    %broadcast_in_dim3A_61 = vector.broadcast %jit3A_60 : f32 to vector<16xf32>
    %select_n3A_62 = arith.select %lt3A_6, %exp3A_59, %broadcast_in_dim3A_61 : vector<16xi1>, vector<16xf32>
    %reduce_sum3A_63 = arith.constant true
    %reduce_sum3A_64 = vector.broadcast %reduce_sum3A_63 : i1 to vector<16xi1>
    %reduce_sum3A_65 = tpu.scan <sum>, %exp3A_58 masked %reduce_sum3A_64 : vector<16xf32>, vector<16xi1> -> vector<16xf32>
    %reduce_sum3A_66 = vector.extract %reduce_sum3A_65[15] : f32 from vector<16xf32>
    %reduce_sum3A_67 = arith.constant true
    %reduce_sum3A_68 = vector.broadcast %reduce_sum3A_67 : i1 to vector<16xi1>
    %reduce_sum3A_69 = tpu.scan <sum>, %select_n3A_62 masked %reduce_sum3A_68 : vector<16xf32>, vector<16xi1> -> vector<16xf32>
    %reduce_sum3A_70 = vector.extract %reduce_sum3A_69[15] : f32 from vector<16xf32>
    %add3A_71 = arith.addf %reduce_sum3A_66, %reduce_sum3A_70 : f32
    %broadcast_in_dim3A_72 = arith.constant 2 : i32
    %broadcast_in_dim3A_73 = vector.broadcast %broadcast_in_dim3A_72 : i32 to vector<16xi32>
    %div3A_74 = vector.broadcast %add3A_71 : f32 to vector<16xf32>
    %div3A_75 = arith.divf %exp3A_58, %div3A_74 : vector<16xf32>
    tpu.vector_store_idx %arg6[%broadcast_in_dim3A_73, %iota3A], %div3A_75 : memref<40x32xf32, #tpu.memory_space<vmem>>[vector<16xi32>, vector<16xi32>], vector<16xf32>,
    %add3A_76 = arith.constant 16 : i32
    %add3A_77 = vector.broadcast %add3A_76 : i32 to vector<16xi32>
    %add3A_78 = arith.addi %iota3A, %add3A_77 : vector<16xi32>
    %div3A_79 = vector.broadcast %add3A_71 : f32 to vector<16xf32>
    %div3A_80 = arith.divf %select_n3A_62, %div3A_79 : vector<16xf32>
    tpu.vector_store_idx %arg6[%broadcast_in_dim3A_73, %add3A_78], %div3A_80 masked %lt3A_6 : memref<40x32xf32, #tpu.memory_space<vmem>>[vector<16xi32>, vector<16xi32>], vector<16xf32>, vector<16xi1>
    %get3A_81 = arith.constant 81 : index
    %get3A_82 = tpu.vector_load %arg5[%get3A_81] {strides = array<i32>} : memref<1096xf32, #tpu.memory_space<vmem>>, vector<16xf32>,
    %get3A_83 = arith.constant 97 : index
    %get3A_84 = tpu.vector_load %arg5[%get3A_83] {strides = array<i32>} : memref<1096xf32, #tpu.memory_space<vmem>>, vector<16xf32>,
    %exp3A_85 = math.exp %get3A_82 : vector<16xf32>
    %exp3A_86 = math.exp %get3A_84 : vector<16xf32>
    %jit3A_87 = arith.constant 0.000000e+00 : f32
    %broadcast_in_dim3A_88 = vector.broadcast %jit3A_87 : f32 to vector<16xf32>
    %select_n3A_89 = arith.select %lt3A_6, %exp3A_86, %broadcast_in_dim3A_88 : vector<16xi1>, vector<16xf32>
    %reduce_sum3A_90 = arith.constant true
    %reduce_sum3A_91 = vector.broadcast %reduce_sum3A_90 : i1 to vector<16xi1>
    %reduce_sum3A_92 = tpu.scan <sum>, %exp3A_85 masked %reduce_sum3A_91 : vector<16xf32>, vector<16xi1> -> vector<16xf32>
    %reduce_sum3A_93 = vector.extract %reduce_sum3A_92[15] : f32 from vector<16xf32>
    %reduce_sum3A_94 = arith.constant true
    %reduce_sum3A_95 = vector.broadcast %reduce_sum3A_94 : i1 to vector<16xi1>
    %reduce_sum3A_96 = tpu.scan <sum>, %select_n3A_89 masked %reduce_sum3A_95 : vector<16xf32>, vector<16xi1> -> vector<16xf32>
    %reduce_sum3A_97 = vector.extract %reduce_sum3A_96[15] : f32 from vector<16xf32>
    %add3A_98 = arith.addf %reduce_sum3A_93, %reduce_sum3A_97 : f32
    %broadcast_in_dim3A_99 = arith.constant 3 : i32
    %broadcast_in_dim3A_100 = vector.broadcast %broadcast_in_dim3A_99 : i32 to vector<16xi32>
    %div3A_101 = vector.broadcast %add3A_98 : f32 to vector<16xf32>
    %div3A_102 = arith.divf %exp3A_85, %div3A_101 : vector<16xf32>
    tpu.vector_store_idx %arg6[%broadcast_in_dim3A_100, %iota3A], %div3A_102 : memref<40x32xf32, #tpu.memory_space<vmem>>[vector<16xi32>, vector<16xi32>], vector<16xf32>,
    %add3A_103 = arith.constant 16 : i32
    %add3A_104 = vector.broadcast %add3A_103 : i32 to vector<16xi32>
    %add3A_105 = arith.addi %iota3A, %add3A_104 : vector<16xi32>
    %div3A_106 = vector.broadcast %add3A_98 : f32 to vector<16xf32>
    %div3A_107 = arith.divf %select_n3A_89, %div3A_106 : vector<16xf32>
    tpu.vector_store_idx %arg6[%broadcast_in_dim3A_100, %add3A_105], %div3A_107 masked %lt3A_6 : memref<40x32xf32, #tpu.memory_space<vmem>>[vector<16xi32>, vector<16xi32>], vector<16xf32>, vector<16xi1>
    %get3A_108 = arith.constant 108 : index
    %get3A_109 = tpu.vector_load %arg5[%get3A_108] {strides = array<i32>} : memref<1096xf32, #tpu.memory_space<vmem>>, vector<16xf32>,
    %get3A_110 = arith.constant 124 : index
    %get3A_111 = tpu.vector_load %arg5[%get3A_110] {strides = array<i32>} : memref<1096xf32, #tpu.memory_space<vmem>>, vector<16xf32>,
    %exp3A_112 = math.exp %get3A_109 : vector<16xf32>
    %exp3A_113 = math.exp %get3A_111 : vector<16xf32>
    %jit3A_114 = arith.constant 0.000000e+00 : f32
    %broadcast_in_dim3A_115 = vector.broadcast %jit3A_114 : f32 to vector<16xf32>
    %select_n3A_116 = arith.select %lt3A_6, %exp3A_113, %broadcast_in_dim3A_115 : vector<16xi1>, vector<16xf32>
    %reduce_sum3A_117 = arith.constant true
    %reduce_sum3A_118 = vector.broadcast %reduce_sum3A_117 : i1 to vector<16xi1>
    %reduce_sum3A_119 = tpu.scan <sum>, %exp3A_112 masked %reduce_sum3A_118 : vector<16xf32>, vector<16xi1> -> vector<16xf32>
    %reduce_sum3A_120 = vector.extract %reduce_sum3A_119[15] : f32 from vector<16xf32>
    %reduce_sum3A_121 = arith.constant true
    %reduce_sum3A_122 = vector.broadcast %reduce_sum3A_121 : i1 to vector<16xi1>
    %reduce_sum3A_123 = tpu.scan <sum>, %select_n3A_116 masked %reduce_sum3A_122 : vector<16xf32>, vector<16xi1> -> vector<16xf32>
    %reduce_sum3A_124 = vector.extract %reduce_sum3A_123[15] : f32 from vector<16xf32>
    %add3A_125 = arith.addf %reduce_sum3A_120, %reduce_sum3A_124 : f32
    %broadcast_in_dim3A_126 = arith.constant 4 : i32
    %broadcast_in_dim3A_127 = vector.broadcast %broadcast_in_dim3A_126 : i32 to vector<16xi32>
    %div3A_128 = vector.broadcast %add3A_125 : f32 to vector<16xf32>
    %div3A_129 = arith.divf %exp3A_112, %div3A_128 : vector<16xf32>
    tpu.vector_store_idx %arg6[%broadcast_in_dim3A_127, %iota3A], %div3A_129 : memref<40x32xf32, #tpu.memory_space<vmem>>[vector<16xi32>, vector<16xi32>], vector<16xf32>,
    %add3A_130 = arith.constant 16 : i32
    %add3A_131 = vector.broadcast %add3A_130 : i32 to vector<16xi32>
    %add3A_132 = arith.addi %iota3A, %add3A_131 : vector<16xi32>
    %div3A_133 = vector.broadcast %add3A_125 : f32 to vector<16xf32>
    %div3A_134 = arith.divf %select_n3A_116, %div3A_133 : vector<16xf32>
    tpu.vector_store_idx %arg6[%broadcast_in_dim3A_127, %add3A_132], %div3A_134 masked %lt3A_6 : memref<40x32xf32, #tpu.memory_space<vmem>>[vector<16xi32>, vector<16xi32>], vector<16xf32>, vector<16xi1>
    %get3A_135 = arith.constant 135 : index
    %get3A_136 = tpu.vector_load %arg5[%get3A_135] {strides = array<i32>} : memref<1096xf32, #tpu.memory_space<vmem>>, vector<16xf32>,
    %get3A_137 = arith.constant 151 : index
    %get3A_138 = tpu.vector_load %arg5[%get3A_137] {strides = array<i32>} : memref<1096xf32, #tpu.memory_space<vmem>>, vector<16xf32>,
    %exp3A_139 = math.exp %get3A_136 : vector<16xf32>
    %exp3A_140 = math.exp %get3A_138 : vector<16xf32>
    %jit3A_141 = arith.constant 0.000000e+00 : f32
    %broadcast_in_dim3A_142 = vector.broadcast %jit3A_141 : f32 to vector<16xf32>
    %select_n3A_143 = arith.select %lt3A_6, %exp3A_140, %broadcast_in_dim3A_142 : vector<16xi1>, vector<16xf32>
    %reduce_sum3A_144 = arith.constant true
    %reduce_sum3A_145 = vector.broadcast %reduce_sum3A_144 : i1 to vector<16xi1>
    %reduce_sum3A_146 = tpu.scan <sum>, %exp3A_139 masked %reduce_sum3A_145 : vector<16xf32>, vector<16xi1> -> vector<16xf32>
    %reduce_sum3A_147 = vector.extract %reduce_sum3A_146[15] : f32 from vector<16xf32>
    %reduce_sum3A_148 = arith.constant true
    %reduce_sum3A_149 = vector.broadcast %reduce_sum3A_148 : i1 to vector<16xi1>
    %reduce_sum3A_150 = tpu.scan <sum>, %select_n3A_143 masked %reduce_sum3A_149 : vector<16xf32>, vector<16xi1> -> vector<16xf32>
    %reduce_sum3A_151 = vector.extract %reduce_sum3A_150[15] : f32 from vector<16xf32>
    %add3A_152 = arith.addf %reduce_sum3A_147, %reduce_sum3A_151 : f32
    %broadcast_in_dim3A_153 = arith.constant 5 : i32
    %broadcast_in_dim3A_154 = vector.broadcast %broadcast_in_dim3A_153 : i32 to vector<16xi32>
    %div3A_155 = vector.broadcast %add3A_152 : f32 to vector<16xf32>
    %div3A_156 = arith.divf %exp3A_139, %div3A_155 : vector<16xf32>
    tpu.vector_store_idx %arg6[%broadcast_in_dim3A_154, %iota3A], %div3A_156 : memref<40x32xf32, #tpu.memory_space<vmem>>[vector<16xi32>, vector<16xi32>], vector<16xf32>,
    %add3A_157 = arith.constant 16 : i32
    %add3A_158 = vector.broadcast %add3A_157 : i32 to vector<16xi32>
    %add3A_159 = arith.addi %iota3A, %add3A_158 : vector<16xi32>
    %div3A_160 = vector.broadcast %add3A_152 : f32 to vector<16xf32>
    %div3A_161 = arith.divf %select_n3A_143, %div3A_160 : vector<16xf32>
    tpu.vector_store_idx %arg6[%broadcast_in_dim3A_154, %add3A_159], %div3A_161 masked %lt3A_6 : memref<40x32xf32, #tpu.memory_space<vmem>>[vector<16xi32>, vector<16xi32>], vector<16xf32>, vector<16xi1>
    %get3A_162 = arith.constant 162 : index
    %get3A_163 = tpu.vector_load %arg5[%get3A_162] {strides = array<i32>} : memref<1096xf32, #tpu.memory_space<vmem>>, vector<16xf32>,
    %get3A_164 = arith.constant 178 : index
    %get3A_165 = tpu.vector_load %arg5[%get3A_164] {strides = array<i32>} : memref<1096xf32, #tpu.memory_space<vmem>>, vector<16xf32>,
    %exp3A_166 = math.exp %get3A_163 : vector<16xf32>
    %exp3A_167 = math.exp %get3A_165 : vector<16xf32>
    %jit3A_168 = arith.constant 0.000000e+00 : f32
    %broadcast_in_dim3A_169 = vector.broadcast %jit3A_168 : f32 to vector<16xf32>
    %select_n3A_170 = arith.select %lt3A_6, %exp3A_167, %broadcast_in_dim3A_169 : vector<16xi1>, vector<16xf32>
    %reduce_sum3A_171 = arith.constant true
    %reduce_sum3A_172 = vector.broadcast %reduce_sum3A_171 : i1 to vector<16xi1>
    %reduce_sum3A_173 = tpu.scan <sum>, %exp3A_166 masked %reduce_sum3A_172 : vector<16xf32>, vector<16xi1> -> vector<16xf32>
    %reduce_sum3A_174 = vector.extract %reduce_sum3A_173[15] : f32 from vector<16xf32>
    %reduce_sum3A_175 = arith.constant true
    %reduce_sum3A_176 = vector.broadcast %reduce_sum3A_175 : i1 to vector<16xi1>
    %reduce_sum3A_177 = tpu.scan <sum>, %select_n3A_170 masked %reduce_sum3A_176 : vector<16xf32>, vector<16xi1> -> vector<16xf32>
    %reduce_sum3A_178 = vector.extract %reduce_sum3A_177[15] : f32 from vector<16xf32>
    %add3A_179 = arith.addf %reduce_sum3A_174, %reduce_sum3A_178 : f32
    %broadcast_in_dim3A_180 = arith.constant 6 : i32
    %broadcast_in_dim3A_181 = vector.broadcast %broadcast_in_dim3A_180 : i32 to vector<16xi32>
    %div3A_182 = vector.broadcast %add3A_179 : f32 to vector<16xf32>
    %div3A_183 = arith.divf %exp3A_166, %div3A_182 : vector<16xf32>
    tpu.vector_store_idx %arg6[%broadcast_in_dim3A_181, %iota3A], %div3A_183 : memref<40x32xf32, #tpu.memory_space<vmem>>[vector<16xi32>, vector<16xi32>], vector<16xf32>,
    %add3A_184 = arith.constant 16 : i32
    %add3A_185 = vector.broadcast %add3A_184 : i32 to vector<16xi32>
    %add3A_186 = arith.addi %iota3A, %add3A_185 : vector<16xi32>
    %div3A_187 = vector.broadcast %add3A_179 : f32 to vector<16xf32>
    %div3A_188 = arith.divf %select_n3A_170, %div3A_187 : vector<16xf32>
    tpu.vector_store_idx %arg6[%broadcast_in_dim3A_181, %add3A_186], %div3A_188 masked %lt3A_6 : memref<40x32xf32, #tpu.memory_space<vmem>>[vector<16xi32>, vector<16xi32>], vector<16xf32>, vector<16xi1>
    %get3A_189 = arith.constant 189 : index
    %get3A_190 = tpu.vector_load %arg5[%get3A_189] {strides = array<i32>} : memref<1096xf32, #tpu.memory_space<vmem>>, vector<16xf32>,
    %get3A_191 = arith.constant 205 : index
    %get3A_192 = tpu.vector_load %arg5[%get3A_191] {strides = array<i32>} : memref<1096xf32, #tpu.memory_space<vmem>>, vector<16xf32>,
    %exp3A_193 = math.exp %get3A_190 : vector<16xf32>
    %exp3A_194 = math.exp %get3A_192 : vector<16xf32>
    %jit3A_195 = arith.constant 0.000000e+00 : f32
    %broadcast_in_dim3A_196 = vector.broadcast %jit3A_195 : f32 to vector<16xf32>
    %select_n3A_197 = arith.select %lt3A_6, %exp3A_194, %broadcast_in_dim3A_196 : vector<16xi1>, vector<16xf32>
    %reduce_sum3A_198 = arith.constant true
    %reduce_sum3A_199 = vector.broadcast %reduce_sum3A_198 : i1 to vector<16xi1>
    %reduce_sum3A_200 = tpu.scan <sum>, %exp3A_193 masked %reduce_sum3A_199 : vector<16xf32>, vector<16xi1> -> vector<16xf32>
    %reduce_sum3A_201 = vector.extract %reduce_sum3A_200[15] : f32 from vector<16xf32>
    %reduce_sum3A_202 = arith.constant true
    %reduce_sum3A_203 = vector.broadcast %reduce_sum3A_202 : i1 to vector<16xi1>
    %reduce_sum3A_204 = tpu.scan <sum>, %select_n3A_197 masked %reduce_sum3A_203 : vector<16xf32>, vector<16xi1> -> vector<16xf32>
    %reduce_sum3A_205 = vector.extract %reduce_sum3A_204[15] : f32 from vector<16xf32>
    %add3A_206 = arith.addf %reduce_sum3A_201, %reduce_sum3A_205 : f32
    %broadcast_in_dim3A_207 = arith.constant 7 : i32
    %broadcast_in_dim3A_208 = vector.broadcast %broadcast_in_dim3A_207 : i32 to vector<16xi32>
    %div3A_209 = vector.broadcast %add3A_206 : f32 to vector<16xf32>
    %div3A_210 = arith.divf %exp3A_193, %div3A_209 : vector<16xf32>
    tpu.vector_store_idx %arg6[%broadcast_in_dim3A_208, %iota3A], %div3A_210 : memref<40x32xf32, #tpu.memory_space<vmem>>[vector<16xi32>, vector<16xi32>], vector<16xf32>,
    %add3A_211 = arith.constant 16 : i32
    %add3A_212 = vector.broadcast %add3A_211 : i32 to vector<16xi32>
    %add3A_213 = arith.addi %iota3A, %add3A_212 : vector<16xi32>
    %div3A_214 = vector.broadcast %add3A_206 : f32 to vector<16xf32>
    %div3A_215 = arith.divf %select_n3A_197, %div3A_214 : vector<16xf32>
    tpu.vector_store_idx %arg6[%broadcast_in_dim3A_208, %add3A_213], %div3A_215 masked %lt3A_6 : memref<40x32xf32, #tpu.memory_space<vmem>>[vector<16xi32>, vector<16xi32>], vector<16xf32>, vector<16xi1>
    %get3A_216 = arith.constant 216 : index
    %get3A_217 = tpu.vector_load %arg5[%get3A_216] {strides = array<i32>} : memref<1096xf32, #tpu.memory_space<vmem>>, vector<16xf32>,
    %get3A_218 = arith.constant 232 : index
    %get3A_219 = tpu.vector_load %arg5[%get3A_218] {strides = array<i32>} : memref<1096xf32, #tpu.memory_space<vmem>>, vector<16xf32>,
    %exp3A_220 = math.exp %get3A_217 : vector<16xf32>
    %exp3A_221 = math.exp %get3A_219 : vector<16xf32>
    %jit3A_222 = arith.constant 0.000000e+00 : f32
    %broadcast_in_dim3A_223 = vector.broadcast %jit3A_222 : f32 to vector<16xf32>
    %select_n3A_224 = arith.select %lt3A_6, %exp3A_221, %broadcast_in_dim3A_223 : vector<16xi1>, vector<16xf32>
    %reduce_sum3A_225 = arith.constant true
    %reduce_sum3A_226 = vector.broadcast %reduce_sum3A_225 : i1 to vector<16xi1>
    %reduce_sum3A_227 = tpu.scan <sum>, %exp3A_220 masked %reduce_sum3A_226 : vector<16xf32>, vector<16xi1> -> vector<16xf32>
    %reduce_sum3A_228 = vector.extract %reduce_sum3A_227[15] : f32 from vector<16xf32>
    %reduce_sum3A_229 = arith.constant true
    %reduce_sum3A_230 = vector.broadcast %reduce_sum3A_229 : i1 to vector<16xi1>
    %reduce_sum3A_231 = tpu.scan <sum>, %select_n3A_224 masked %reduce_sum3A_230 : vector<16xf32>, vector<16xi1> -> vector<16xf32>
    %reduce_sum3A_232 = vector.extract %reduce_sum3A_231[15] : f32 from vector<16xf32>
    %add3A_233 = arith.addf %reduce_sum3A_228, %reduce_sum3A_232 : f32
    %broadcast_in_dim3A_234 = arith.constant 8 : i32
    %broadcast_in_dim3A_235 = vector.broadcast %broadcast_in_dim3A_234 : i32 to vector<16xi32>
    %div3A_236 = vector.broadcast %add3A_233 : f32 to vector<16xf32>
    %div3A_237 = arith.divf %exp3A_220, %div3A_236 : vector<16xf32>
    tpu.vector_store_idx %arg6[%broadcast_in_dim3A_235, %iota3A], %div3A_237 : memref<40x32xf32, #tpu.memory_space<vmem>>[vector<16xi32>, vector<16xi32>], vector<16xf32>,
    %add3A_238 = arith.constant 16 : i32
    %add3A_239 = vector.broadcast %add3A_238 : i32 to vector<16xi32>
    %add3A_240 = arith.addi %iota3A, %add3A_239 : vector<16xi32>
    %div3A_241 = vector.broadcast %add3A_233 : f32 to vector<16xf32>
    %div3A_242 = arith.divf %select_n3A_224, %div3A_241 : vector<16xf32>
    tpu.vector_store_idx %arg6[%broadcast_in_dim3A_235, %add3A_240], %div3A_242 masked %lt3A_6 : memref<40x32xf32, #tpu.memory_space<vmem>>[vector<16xi32>, vector<16xi32>], vector<16xf32>, vector<16xi1>
    %get3A_243 = arith.constant 243 : index
    %get3A_244 = tpu.vector_load %arg5[%get3A_243] {strides = array<i32>} : memref<1096xf32, #tpu.memory_space<vmem>>, vector<16xf32>,
    %get3A_245 = arith.constant 259 : index
    %get3A_246 = tpu.vector_load %arg5[%get3A_245] {strides = array<i32>} : memref<1096xf32, #tpu.memory_space<vmem>>, vector<16xf32>,
    %exp3A_247 = math.exp %get3A_244 : vector<16xf32>
    %exp3A_248 = math.exp %get3A_246 : vector<16xf32>
    %jit3A_249 = arith.constant 0.000000e+00 : f32
    %broadcast_in_dim3A_250 = vector.broadcast %jit3A_249 : f32 to vector<16xf32>
    %select_n3A_251 = arith.select %lt3A_6, %exp3A_248, %broadcast_in_dim3A_250 : vector<16xi1>, vector<16xf32>
    %reduce_sum3A_252 = arith.constant true
    %reduce_sum3A_253 = vector.broadcast %reduce_sum3A_252 : i1 to vector<16xi1>
    %reduce_sum3A_254 = tpu.scan <sum>, %exp3A_247 masked %reduce_sum3A_253 : vector<16xf32>, vector<16xi1> -> vector<16xf32>
    %reduce_sum3A_255 = vector.extract %reduce_sum3A_254[15] : f32 from vector<16xf32>
    %reduce_sum3A_256 = arith.constant true
    %reduce_sum3A_257 = vector.broadcast %reduce_sum3A_256 : i1 to vector<16xi1>
    %reduce_sum3A_258 = tpu.scan <sum>, %select_n3A_251 masked %reduce_sum3A_257 : vector<16xf32>, vector<16xi1> -> vector<16xf32>
    %reduce_sum3A_259 = vector.extract %reduce_sum3A_258[15] : f32 from vector<16xf32>
    %add3A_260 = arith.addf %reduce_sum3A_255, %reduce_sum3A_259 : f32
    %broadcast_in_dim3A_261 = arith.constant 9 : i32
    %broadcast_in_dim3A_262 = vector.broadcast %broadcast_in_dim3A_261 : i32 to vector<16xi32>
    %div3A_263 = vector.broadcast %add3A_260 : f32 to vector<16xf32>
    %div3A_264 = arith.divf %exp3A_247, %div3A_263 : vector<16xf32>
    tpu.vector_store_idx %arg6[%broadcast_in_dim3A_262, %iota3A], %div3A_264 : memref<40x32xf32, #tpu.memory_space<vmem>>[vector<16xi32>, vector<16xi32>], vector<16xf32>,
    %add3A_265 = arith.constant 16 : i32
    %add3A_266 = vector.broadcast %add3A_265 : i32 to vector<16xi32>
    %add3A_267 = arith.addi %iota3A, %add3A_266 : vector<16xi32>
    %div3A_268 = vector.broadcast %add3A_260 : f32 to vector<16xf32>
    %div3A_269 = arith.divf %select_n3A_251, %div3A_268 : vector<16xf32>
    tpu.vector_store_idx %arg6[%broadcast_in_dim3A_262, %add3A_267], %div3A_269 masked %lt3A_6 : memref<40x32xf32, #tpu.memory_space<vmem>>[vector<16xi32>, vector<16xi32>], vector<16xf32>, vector<16xi1>
    %get3A_270 = arith.constant 270 : index
    %get3A_271 = tpu.vector_load %arg5[%get3A_270] {strides = array<i32>} : memref<1096xf32, #tpu.memory_space<vmem>>, vector<16xf32>,
    %get3A_272 = arith.constant 286 : index
    %get3A_273 = tpu.vector_load %arg5[%get3A_272] {strides = array<i32>} : memref<1096xf32, #tpu.memory_space<vmem>>, vector<16xf32>,
    %exp3A_274 = math.exp %get3A_271 : vector<16xf32>
    %exp3A_275 = math.exp %get3A_273 : vector<16xf32>
    %jit3A_276 = arith.constant 0.000000e+00 : f32
    %broadcast_in_dim3A_277 = vector.broadcast %jit3A_276 : f32 to vector<16xf32>
    %select_n3A_278 = arith.select %lt3A_6, %exp3A_275, %broadcast_in_dim3A_277 : vector<16xi1>, vector<16xf32>
    %reduce_sum3A_279 = arith.constant true
    %reduce_sum3A_280 = vector.broadcast %reduce_sum3A_279 : i1 to vector<16xi1>
    %reduce_sum3A_281 = tpu.scan <sum>, %exp3A_274 masked %reduce_sum3A_280 : vector<16xf32>, vector<16xi1> -> vector<16xf32>
    %reduce_sum3A_282 = vector.extract %reduce_sum3A_281[15] : f32 from vector<16xf32>
    %reduce_sum3A_283 = arith.constant true
    %reduce_sum3A_284 = vector.broadcast %reduce_sum3A_283 : i1 to vector<16xi1>
    %reduce_sum3A_285 = tpu.scan <sum>, %select_n3A_278 masked %reduce_sum3A_284 : vector<16xf32>, vector<16xi1> -> vector<16xf32>
    %reduce_sum3A_286 = vector.extract %reduce_sum3A_285[15] : f32 from vector<16xf32>
    %add3A_287 = arith.addf %reduce_sum3A_282, %reduce_sum3A_286 : f32
    %broadcast_in_dim3A_288 = arith.constant 10 : i32
    %broadcast_in_dim3A_289 = vector.broadcast %broadcast_in_dim3A_288 : i32 to vector<16xi32>
    %div3A_290 = vector.broadcast %add3A_287 : f32 to vector<16xf32>
    %div3A_291 = arith.divf %exp3A_274, %div3A_290 : vector<16xf32>
    tpu.vector_store_idx %arg6[%broadcast_in_dim3A_289, %iota3A], %div3A_291 : memref<40x32xf32, #tpu.memory_space<vmem>>[vector<16xi32>, vector<16xi32>], vector<16xf32>,
    %add3A_292 = arith.constant 16 : i32
    %add3A_293 = vector.broadcast %add3A_292 : i32 to vector<16xi32>
    %add3A_294 = arith.addi %iota3A, %add3A_293 : vector<16xi32>
    %div3A_295 = vector.broadcast %add3A_287 : f32 to vector<16xf32>
    %div3A_296 = arith.divf %select_n3A_278, %div3A_295 : vector<16xf32>
    tpu.vector_store_idx %arg6[%broadcast_in_dim3A_289, %add3A_294], %div3A_296 masked %lt3A_6 : memref<40x32xf32, #tpu.memory_space<vmem>>[vector<16xi32>, vector<16xi32>], vector<16xf32>, vector<16xi1>
    %get3A_297 = arith.constant 297 : index
    %get3A_298 = tpu.vector_load %arg5[%get3A_297] {strides = array<i32>} : memref<1096xf32, #tpu.memory_space<vmem>>, vector<16xf32>,
    %get3A_299 = arith.constant 313 : index
    %get3A_300 = tpu.vector_load %arg5[%get3A_299] {strides = array<i32>} : memref<1096xf32, #tpu.memory_space<vmem>>, vector<16xf32>,
    %exp3A_301 = math.exp %get3A_298 : vector<16xf32>
    %exp3A_302 = math.exp %get3A_300 : vector<16xf32>
    %jit3A_303 = arith.constant 0.000000e+00 : f32
    %broadcast_in_dim3A_304 = vector.broadcast %jit3A_303 : f32 to vector<16xf32>
    %select_n3A_305 = arith.select %lt3A_6, %exp3A_302, %broadcast_in_dim3A_304 : vector<16xi1>, vector<16xf32>
    %reduce_sum3A_306 = arith.constant true
    %reduce_sum3A_307 = vector.broadcast %reduce_sum3A_306 : i1 to vector<16xi1>
    %reduce_sum3A_308 = tpu.scan <sum>, %exp3A_301 masked %reduce_sum3A_307 : vector<16xf32>, vector<16xi1> -> vector<16xf32>
    %reduce_sum3A_309 = vector.extract %reduce_sum3A_308[15] : f32 from vector<16xf32>
    %reduce_sum3A_310 = arith.constant true
    %reduce_sum3A_311 = vector.broadcast %reduce_sum3A_310 : i1 to vector<16xi1>
    %reduce_sum3A_312 = tpu.scan <sum>, %select_n3A_305 masked %reduce_sum3A_311 : vector<16xf32>, vector<16xi1> -> vector<16xf32>
    %reduce_sum3A_313 = vector.extract %reduce_sum3A_312[15] : f32 from vector<16xf32>
    %add3A_314 = arith.addf %reduce_sum3A_309, %reduce_sum3A_313 : f32
    %broadcast_in_dim3A_315 = arith.constant 11 : i32
    %broadcast_in_dim3A_316 = vector.broadcast %broadcast_in_dim3A_315 : i32 to vector<16xi32>
    %div3A_317 = vector.broadcast %add3A_314 : f32 to vector<16xf32>
    %div3A_318 = arith.divf %exp3A_301, %div3A_317 : vector<16xf32>
    tpu.vector_store_idx %arg6[%broadcast_in_dim3A_316, %iota3A], %div3A_318 : memref<40x32xf32, #tpu.memory_space<vmem>>[vector<16xi32>, vector<16xi32>], vector<16xf32>,
    %add3A_319 = arith.constant 16 : i32
    %add3A_320 = vector.broadcast %add3A_319 : i32 to vector<16xi32>
    %add3A_321 = arith.addi %iota3A, %add3A_320 : vector<16xi32>
    %div3A_322 = vector.broadcast %add3A_314 : f32 to vector<16xf32>
    %div3A_323 = arith.divf %select_n3A_305, %div3A_322 : vector<16xf32>
    tpu.vector_store_idx %arg6[%broadcast_in_dim3A_316, %add3A_321], %div3A_323 masked %lt3A_6 : memref<40x32xf32, #tpu.memory_space<vmem>>[vector<16xi32>, vector<16xi32>], vector<16xf32>, vector<16xi1>
    %get3A_324 = arith.constant 324 : index
    %get3A_325 = tpu.vector_load %arg5[%get3A_324] {strides = array<i32>} : memref<1096xf32, #tpu.memory_space<vmem>>, vector<16xf32>,
    %get3A_326 = arith.constant 340 : index
    %get3A_327 = tpu.vector_load %arg5[%get3A_326] {strides = array<i32>} : memref<1096xf32, #tpu.memory_space<vmem>>, vector<16xf32>,
    %exp3A_328 = math.exp %get3A_325 : vector<16xf32>
    %exp3A_329 = math.exp %get3A_327 : vector<16xf32>
    %jit3A_330 = arith.constant 0.000000e+00 : f32
    %broadcast_in_dim3A_331 = vector.broadcast %jit3A_330 : f32 to vector<16xf32>
    %select_n3A_332 = arith.select %lt3A_6, %exp3A_329, %broadcast_in_dim3A_331 : vector<16xi1>, vector<16xf32>
    %reduce_sum3A_333 = arith.constant true
    %reduce_sum3A_334 = vector.broadcast %reduce_sum3A_333 : i1 to vector<16xi1>
    %reduce_sum3A_335 = tpu.scan <sum>, %exp3A_328 masked %reduce_sum3A_334 : vector<16xf32>, vector<16xi1> -> vector<16xf32>
    %reduce_sum3A_336 = vector.extract %reduce_sum3A_335[15] : f32 from vector<16xf32>
    %reduce_sum3A_337 = arith.constant true
    %reduce_sum3A_338 = vector.broadcast %reduce_sum3A_337 : i1 to vector<16xi1>
    %reduce_sum3A_339 = tpu.scan <sum>, %select_n3A_332 masked %reduce_sum3A_338 : vector<16xf32>, vector<16xi1> -> vector<16xf32>
    %reduce_sum3A_340 = vector.extract %reduce_sum3A_339[15] : f32 from vector<16xf32>
    %add3A_341 = arith.addf %reduce_sum3A_336, %reduce_sum3A_340 : f32
    %broadcast_in_dim3A_342 = arith.constant 12 : i32
    %broadcast_in_dim3A_343 = vector.broadcast %broadcast_in_dim3A_342 : i32 to vector<16xi32>
    %div3A_344 = vector.broadcast %add3A_341 : f32 to vector<16xf32>
    %div3A_345 = arith.divf %exp3A_328, %div3A_344 : vector<16xf32>
    tpu.vector_store_idx %arg6[%broadcast_in_dim3A_343, %iota3A], %div3A_345 : memref<40x32xf32, #tpu.memory_space<vmem>>[vector<16xi32>, vector<16xi32>], vector<16xf32>,
    %add3A_346 = arith.constant 16 : i32
    %add3A_347 = vector.broadcast %add3A_346 : i32 to vector<16xi32>
    %add3A_348 = arith.addi %iota3A, %add3A_347 : vector<16xi32>
    %div3A_349 = vector.broadcast %add3A_341 : f32 to vector<16xf32>
    %div3A_350 = arith.divf %select_n3A_332, %div3A_349 : vector<16xf32>
    tpu.vector_store_idx %arg6[%broadcast_in_dim3A_343, %add3A_348], %div3A_350 masked %lt3A_6 : memref<40x32xf32, #tpu.memory_space<vmem>>[vector<16xi32>, vector<16xi32>], vector<16xf32>, vector<16xi1>
    %get3A_351 = arith.constant 351 : index
    %get3A_352 = tpu.vector_load %arg5[%get3A_351] {strides = array<i32>} : memref<1096xf32, #tpu.memory_space<vmem>>, vector<16xf32>,
    %get3A_353 = arith.constant 367 : index
    %get3A_354 = tpu.vector_load %arg5[%get3A_353] {strides = array<i32>} : memref<1096xf32, #tpu.memory_space<vmem>>, vector<16xf32>,
    %exp3A_355 = math.exp %get3A_352 : vector<16xf32>
    %exp3A_356 = math.exp %get3A_354 : vector<16xf32>
    %jit3A_357 = arith.constant 0.000000e+00 : f32
    %broadcast_in_dim3A_358 = vector.broadcast %jit3A_357 : f32 to vector<16xf32>
    %select_n3A_359 = arith.select %lt3A_6, %exp3A_356, %broadcast_in_dim3A_358 : vector<16xi1>, vector<16xf32>
    %reduce_sum3A_360 = arith.constant true
    %reduce_sum3A_361 = vector.broadcast %reduce_sum3A_360 : i1 to vector<16xi1>
    %reduce_sum3A_362 = tpu.scan <sum>, %exp3A_355 masked %reduce_sum3A_361 : vector<16xf32>, vector<16xi1> -> vector<16xf32>
    %reduce_sum3A_363 = vector.extract %reduce_sum3A_362[15] : f32 from vector<16xf32>
    %reduce_sum3A_364 = arith.constant true
    %reduce_sum3A_365 = vector.broadcast %reduce_sum3A_364 : i1 to vector<16xi1>
    %reduce_sum3A_366 = tpu.scan <sum>, %select_n3A_359 masked %reduce_sum3A_365 : vector<16xf32>, vector<16xi1> -> vector<16xf32>
    %reduce_sum3A_367 = vector.extract %reduce_sum3A_366[15] : f32 from vector<16xf32>
    %add3A_368 = arith.addf %reduce_sum3A_363, %reduce_sum3A_367 : f32
    %broadcast_in_dim3A_369 = arith.constant 13 : i32
    %broadcast_in_dim3A_370 = vector.broadcast %broadcast_in_dim3A_369 : i32 to vector<16xi32>
    %div3A_371 = vector.broadcast %add3A_368 : f32 to vector<16xf32>
    %div3A_372 = arith.divf %exp3A_355, %div3A_371 : vector<16xf32>
    tpu.vector_store_idx %arg6[%broadcast_in_dim3A_370, %iota3A], %div3A_372 : memref<40x32xf32, #tpu.memory_space<vmem>>[vector<16xi32>, vector<16xi32>], vector<16xf32>,
    %add3A_373 = arith.constant 16 : i32
    %add3A_374 = vector.broadcast %add3A_373 : i32 to vector<16xi32>
    %add3A_375 = arith.addi %iota3A, %add3A_374 : vector<16xi32>
    %div3A_376 = vector.broadcast %add3A_368 : f32 to vector<16xf32>
    %div3A_377 = arith.divf %select_n3A_359, %div3A_376 : vector<16xf32>
    tpu.vector_store_idx %arg6[%broadcast_in_dim3A_370, %add3A_375], %div3A_377 masked %lt3A_6 : memref<40x32xf32, #tpu.memory_space<vmem>>[vector<16xi32>, vector<16xi32>], vector<16xf32>, vector<16xi1>
    %get3A_378 = arith.constant 378 : index
    %get3A_379 = tpu.vector_load %arg5[%get3A_378] {strides = array<i32>} : memref<1096xf32, #tpu.memory_space<vmem>>, vector<16xf32>,
    %get3A_380 = arith.constant 394 : index
    %get3A_381 = tpu.vector_load %arg5[%get3A_380] {strides = array<i32>} : memref<1096xf32, #tpu.memory_space<vmem>>, vector<16xf32>,
    %exp3A_382 = math.exp %get3A_379 : vector<16xf32>
    %exp3A_383 = math.exp %get3A_381 : vector<16xf32>
    %jit3A_384 = arith.constant 0.000000e+00 : f32
    %broadcast_in_dim3A_385 = vector.broadcast %jit3A_384 : f32 to vector<16xf32>
    %select_n3A_386 = arith.select %lt3A_6, %exp3A_383, %broadcast_in_dim3A_385 : vector<16xi1>, vector<16xf32>
    %reduce_sum3A_387 = arith.constant true
    %reduce_sum3A_388 = vector.broadcast %reduce_sum3A_387 : i1 to vector<16xi1>
    %reduce_sum3A_389 = tpu.scan <sum>, %exp3A_382 masked %reduce_sum3A_388 : vector<16xf32>, vector<16xi1> -> vector<16xf32>
    %reduce_sum3A_390 = vector.extract %reduce_sum3A_389[15] : f32 from vector<16xf32>
    %reduce_sum3A_391 = arith.constant true
    %reduce_sum3A_392 = vector.broadcast %reduce_sum3A_391 : i1 to vector<16xi1>
    %reduce_sum3A_393 = tpu.scan <sum>, %select_n3A_386 masked %reduce_sum3A_392 : vector<16xf32>, vector<16xi1> -> vector<16xf32>
    %reduce_sum3A_394 = vector.extract %reduce_sum3A_393[15] : f32 from vector<16xf32>
    %add3A_395 = arith.addf %reduce_sum3A_390, %reduce_sum3A_394 : f32
    %broadcast_in_dim3A_396 = arith.constant 14 : i32
    %broadcast_in_dim3A_397 = vector.broadcast %broadcast_in_dim3A_396 : i32 to vector<16xi32>
    %div3A_398 = vector.broadcast %add3A_395 : f32 to vector<16xf32>
    %div3A_399 = arith.divf %exp3A_382, %div3A_398 : vector<16xf32>
    tpu.vector_store_idx %arg6[%broadcast_in_dim3A_397, %iota3A], %div3A_399 : memref<40x32xf32, #tpu.memory_space<vmem>>[vector<16xi32>, vector<16xi32>], vector<16xf32>,
    %add3A_400 = arith.constant 16 : i32
    %add3A_401 = vector.broadcast %add3A_400 : i32 to vector<16xi32>
    %add3A_402 = arith.addi %iota3A, %add3A_401 : vector<16xi32>
    %div3A_403 = vector.broadcast %add3A_395 : f32 to vector<16xf32>
    %div3A_404 = arith.divf %select_n3A_386, %div3A_403 : vector<16xf32>
    tpu.vector_store_idx %arg6[%broadcast_in_dim3A_397, %add3A_402], %div3A_404 masked %lt3A_6 : memref<40x32xf32, #tpu.memory_space<vmem>>[vector<16xi32>, vector<16xi32>], vector<16xf32>, vector<16xi1>
    %get3A_405 = arith.constant 405 : index
    %get3A_406 = tpu.vector_load %arg5[%get3A_405] {strides = array<i32>} : memref<1096xf32, #tpu.memory_space<vmem>>, vector<16xf32>,
    %get3A_407 = arith.constant 421 : index
    %get3A_408 = tpu.vector_load %arg5[%get3A_407] {strides = array<i32>} : memref<1096xf32, #tpu.memory_space<vmem>>, vector<16xf32>,
    %exp3A_409 = math.exp %get3A_406 : vector<16xf32>
    %exp3A_410 = math.exp %get3A_408 : vector<16xf32>
    %jit3A_411 = arith.constant 0.000000e+00 : f32
    %broadcast_in_dim3A_412 = vector.broadcast %jit3A_411 : f32 to vector<16xf32>
    %select_n3A_413 = arith.select %lt3A_6, %exp3A_410, %broadcast_in_dim3A_412 : vector<16xi1>, vector<16xf32>
    %reduce_sum3A_414 = arith.constant true
    %reduce_sum3A_415 = vector.broadcast %reduce_sum3A_414 : i1 to vector<16xi1>
    %reduce_sum3A_416 = tpu.scan <sum>, %exp3A_409 masked %reduce_sum3A_415 : vector<16xf32>, vector<16xi1> -> vector<16xf32>
    %reduce_sum3A_417 = vector.extract %reduce_sum3A_416[15] : f32 from vector<16xf32>
    %reduce_sum3A_418 = arith.constant true
    %reduce_sum3A_419 = vector.broadcast %reduce_sum3A_418 : i1 to vector<16xi1>
    %reduce_sum3A_420 = tpu.scan <sum>, %select_n3A_413 masked %reduce_sum3A_419 : vector<16xf32>, vector<16xi1> -> vector<16xf32>
    %reduce_sum3A_421 = vector.extract %reduce_sum3A_420[15] : f32 from vector<16xf32>
    %add3A_422 = arith.addf %reduce_sum3A_417, %reduce_sum3A_421 : f32
    %broadcast_in_dim3A_423 = arith.constant 15 : i32
    %broadcast_in_dim3A_424 = vector.broadcast %broadcast_in_dim3A_423 : i32 to vector<16xi32>
    %div3A_425 = vector.broadcast %add3A_422 : f32 to vector<16xf32>
    %div3A_426 = arith.divf %exp3A_409, %div3A_425 : vector<16xf32>
    tpu.vector_store_idx %arg6[%broadcast_in_dim3A_424, %iota3A], %div3A_426 : memref<40x32xf32, #tpu.memory_space<vmem>>[vector<16xi32>, vector<16xi32>], vector<16xf32>,
    %add3A_427 = arith.constant 16 : i32
    %add3A_428 = vector.broadcast %add3A_427 : i32 to vector<16xi32>
    %add3A_429 = arith.addi %iota3A, %add3A_428 : vector<16xi32>
    %div3A_430 = vector.broadcast %add3A_422 : f32 to vector<16xf32>
    %div3A_431 = arith.divf %select_n3A_413, %div3A_430 : vector<16xf32>
    tpu.vector_store_idx %arg6[%broadcast_in_dim3A_424, %add3A_429], %div3A_431 masked %lt3A_6 : memref<40x32xf32, #tpu.memory_space<vmem>>[vector<16xi32>, vector<16xi32>], vector<16xf32>, vector<16xi1>
    %get3A_432 = arith.constant 432 : index
    %get3A_433 = tpu.vector_load %arg5[%get3A_432] {strides = array<i32>} : memref<1096xf32, #tpu.memory_space<vmem>>, vector<16xf32>,
    %get3A_434 = arith.constant 448 : index
    %get3A_435 = tpu.vector_load %arg5[%get3A_434] {strides = array<i32>} : memref<1096xf32, #tpu.memory_space<vmem>>, vector<16xf32>,
    %exp3A_436 = math.exp %get3A_433 : vector<16xf32>
    %exp3A_437 = math.exp %get3A_435 : vector<16xf32>
    %jit3A_438 = arith.constant 0.000000e+00 : f32
    %broadcast_in_dim3A_439 = vector.broadcast %jit3A_438 : f32 to vector<16xf32>
    %select_n3A_440 = arith.select %lt3A_6, %exp3A_437, %broadcast_in_dim3A_439 : vector<16xi1>, vector<16xf32>
    %reduce_sum3A_441 = arith.constant true
    %reduce_sum3A_442 = vector.broadcast %reduce_sum3A_441 : i1 to vector<16xi1>
    %reduce_sum3A_443 = tpu.scan <sum>, %exp3A_436 masked %reduce_sum3A_442 : vector<16xf32>, vector<16xi1> -> vector<16xf32>
    %reduce_sum3A_444 = vector.extract %reduce_sum3A_443[15] : f32 from vector<16xf32>
    %reduce_sum3A_445 = arith.constant true
    %reduce_sum3A_446 = vector.broadcast %reduce_sum3A_445 : i1 to vector<16xi1>
    %reduce_sum3A_447 = tpu.scan <sum>, %select_n3A_440 masked %reduce_sum3A_446 : vector<16xf32>, vector<16xi1> -> vector<16xf32>
    %reduce_sum3A_448 = vector.extract %reduce_sum3A_447[15] : f32 from vector<16xf32>
    %add3A_449 = arith.addf %reduce_sum3A_444, %reduce_sum3A_448 : f32
    %broadcast_in_dim3A_450 = arith.constant 16 : i32
    %broadcast_in_dim3A_451 = vector.broadcast %broadcast_in_dim3A_450 : i32 to vector<16xi32>
    %div3A_452 = vector.broadcast %add3A_449 : f32 to vector<16xf32>
    %div3A_453 = arith.divf %exp3A_436, %div3A_452 : vector<16xf32>
    tpu.vector_store_idx %arg6[%broadcast_in_dim3A_451, %iota3A], %div3A_453 : memref<40x32xf32, #tpu.memory_space<vmem>>[vector<16xi32>, vector<16xi32>], vector<16xf32>,
    %add3A_454 = arith.constant 16 : i32
    %add3A_455 = vector.broadcast %add3A_454 : i32 to vector<16xi32>
    %add3A_456 = arith.addi %iota3A, %add3A_455 : vector<16xi32>
    %div3A_457 = vector.broadcast %add3A_449 : f32 to vector<16xf32>
    %div3A_458 = arith.divf %select_n3A_440, %div3A_457 : vector<16xf32>
    tpu.vector_store_idx %arg6[%broadcast_in_dim3A_451, %add3A_456], %div3A_458 masked %lt3A_6 : memref<40x32xf32, #tpu.memory_space<vmem>>[vector<16xi32>, vector<16xi32>], vector<16xf32>, vector<16xi1>
    %get3A_459 = arith.constant 459 : index
    %get3A_460 = tpu.vector_load %arg5[%get3A_459] {strides = array<i32>} : memref<1096xf32, #tpu.memory_space<vmem>>, vector<16xf32>,
    %get3A_461 = arith.constant 475 : index
    %get3A_462 = tpu.vector_load %arg5[%get3A_461] {strides = array<i32>} : memref<1096xf32, #tpu.memory_space<vmem>>, vector<16xf32>,
    %exp3A_463 = math.exp %get3A_460 : vector<16xf32>
    %exp3A_464 = math.exp %get3A_462 : vector<16xf32>
    %jit3A_465 = arith.constant 0.000000e+00 : f32
    %broadcast_in_dim3A_466 = vector.broadcast %jit3A_465 : f32 to vector<16xf32>
    %select_n3A_467 = arith.select %lt3A_6, %exp3A_464, %broadcast_in_dim3A_466 : vector<16xi1>, vector<16xf32>
    %reduce_sum3A_468 = arith.constant true
    %reduce_sum3A_469 = vector.broadcast %reduce_sum3A_468 : i1 to vector<16xi1>
    %reduce_sum3A_470 = tpu.scan <sum>, %exp3A_463 masked %reduce_sum3A_469 : vector<16xf32>, vector<16xi1> -> vector<16xf32>
    %reduce_sum3A_471 = vector.extract %reduce_sum3A_470[15] : f32 from vector<16xf32>
    %reduce_sum3A_472 = arith.constant true
    %reduce_sum3A_473 = vector.broadcast %reduce_sum3A_472 : i1 to vector<16xi1>
    %reduce_sum3A_474 = tpu.scan <sum>, %select_n3A_467 masked %reduce_sum3A_473 : vector<16xf32>, vector<16xi1> -> vector<16xf32>
    %reduce_sum3A_475 = vector.extract %reduce_sum3A_474[15] : f32 from vector<16xf32>
    %add3A_476 = arith.addf %reduce_sum3A_471, %reduce_sum3A_475 : f32
    %broadcast_in_dim3A_477 = arith.constant 17 : i32
    %broadcast_in_dim3A_478 = vector.broadcast %broadcast_in_dim3A_477 : i32 to vector<16xi32>
    %div3A_479 = vector.broadcast %add3A_476 : f32 to vector<16xf32>
    %div3A_480 = arith.divf %exp3A_463, %div3A_479 : vector<16xf32>
    tpu.vector_store_idx %arg6[%broadcast_in_dim3A_478, %iota3A], %div3A_480 : memref<40x32xf32, #tpu.memory_space<vmem>>[vector<16xi32>, vector<16xi32>], vector<16xf32>,
    %add3A_481 = arith.constant 16 : i32
    %add3A_482 = vector.broadcast %add3A_481 : i32 to vector<16xi32>
    %add3A_483 = arith.addi %iota3A, %add3A_482 : vector<16xi32>
    %div3A_484 = vector.broadcast %add3A_476 : f32 to vector<16xf32>
    %div3A_485 = arith.divf %select_n3A_467, %div3A_484 : vector<16xf32>
    tpu.vector_store_idx %arg6[%broadcast_in_dim3A_478, %add3A_483], %div3A_485 masked %lt3A_6 : memref<40x32xf32, #tpu.memory_space<vmem>>[vector<16xi32>, vector<16xi32>], vector<16xf32>, vector<16xi1>
    %get3A_486 = arith.constant 486 : index
    %get3A_487 = tpu.vector_load %arg5[%get3A_486] {strides = array<i32>} : memref<1096xf32, #tpu.memory_space<vmem>>, vector<16xf32>,
    %get3A_488 = arith.constant 502 : index
    %get3A_489 = tpu.vector_load %arg5[%get3A_488] {strides = array<i32>} : memref<1096xf32, #tpu.memory_space<vmem>>, vector<16xf32>,
    %exp3A_490 = math.exp %get3A_487 : vector<16xf32>
    %exp3A_491 = math.exp %get3A_489 : vector<16xf32>
    %jit3A_492 = arith.constant 0.000000e+00 : f32
    %broadcast_in_dim3A_493 = vector.broadcast %jit3A_492 : f32 to vector<16xf32>
    %select_n3A_494 = arith.select %lt3A_6, %exp3A_491, %broadcast_in_dim3A_493 : vector<16xi1>, vector<16xf32>
    %reduce_sum3A_495 = arith.constant true
    %reduce_sum3A_496 = vector.broadcast %reduce_sum3A_495 : i1 to vector<16xi1>
    %reduce_sum3A_497 = tpu.scan <sum>, %exp3A_490 masked %reduce_sum3A_496 : vector<16xf32>, vector<16xi1> -> vector<16xf32>
    %reduce_sum3A_498 = vector.extract %reduce_sum3A_497[15] : f32 from vector<16xf32>
    %reduce_sum3A_499 = arith.constant true
    %reduce_sum3A_500 = vector.broadcast %reduce_sum3A_499 : i1 to vector<16xi1>
    %reduce_sum3A_501 = tpu.scan <sum>, %select_n3A_494 masked %reduce_sum3A_500 : vector<16xf32>, vector<16xi1> -> vector<16xf32>
    %reduce_sum3A_502 = vector.extract %reduce_sum3A_501[15] : f32 from vector<16xf32>
    %add3A_503 = arith.addf %reduce_sum3A_498, %reduce_sum3A_502 : f32
    %broadcast_in_dim3A_504 = arith.constant 18 : i32
    %broadcast_in_dim3A_505 = vector.broadcast %broadcast_in_dim3A_504 : i32 to vector<16xi32>
    %div3A_506 = vector.broadcast %add3A_503 : f32 to vector<16xf32>
    %div3A_507 = arith.divf %exp3A_490, %div3A_506 : vector<16xf32>
    tpu.vector_store_idx %arg6[%broadcast_in_dim3A_505, %iota3A], %div3A_507 : memref<40x32xf32, #tpu.memory_space<vmem>>[vector<16xi32>, vector<16xi32>], vector<16xf32>,
    %add3A_508 = arith.constant 16 : i32
    %add3A_509 = vector.broadcast %add3A_508 : i32 to vector<16xi32>
    %add3A_510 = arith.addi %iota3A, %add3A_509 : vector<16xi32>
    %div3A_511 = vector.broadcast %add3A_503 : f32 to vector<16xf32>
    %div3A_512 = arith.divf %select_n3A_494, %div3A_511 : vector<16xf32>
    tpu.vector_store_idx %arg6[%broadcast_in_dim3A_505, %add3A_510], %div3A_512 masked %lt3A_6 : memref<40x32xf32, #tpu.memory_space<vmem>>[vector<16xi32>, vector<16xi32>], vector<16xf32>, vector<16xi1>
    %get3A_513 = arith.constant 513 : index
    %get3A_514 = tpu.vector_load %arg5[%get3A_513] {strides = array<i32>} : memref<1096xf32, #tpu.memory_space<vmem>>, vector<16xf32>,
    %get3A_515 = arith.constant 529 : index
    %get3A_516 = tpu.vector_load %arg5[%get3A_515] {strides = array<i32>} : memref<1096xf32, #tpu.memory_space<vmem>>, vector<16xf32>,
    %exp3A_517 = math.exp %get3A_514 : vector<16xf32>
    %exp3A_518 = math.exp %get3A_516 : vector<16xf32>
    %jit3A_519 = arith.constant 0.000000e+00 : f32
    %broadcast_in_dim3A_520 = vector.broadcast %jit3A_519 : f32 to vector<16xf32>
    %select_n3A_521 = arith.select %lt3A_6, %exp3A_518, %broadcast_in_dim3A_520 : vector<16xi1>, vector<16xf32>
    %reduce_sum3A_522 = arith.constant true
    %reduce_sum3A_523 = vector.broadcast %reduce_sum3A_522 : i1 to vector<16xi1>
    %reduce_sum3A_524 = tpu.scan <sum>, %exp3A_517 masked %reduce_sum3A_523 : vector<16xf32>, vector<16xi1> -> vector<16xf32>
    %reduce_sum3A_525 = vector.extract %reduce_sum3A_524[15] : f32 from vector<16xf32>
    %reduce_sum3A_526 = arith.constant true
    %reduce_sum3A_527 = vector.broadcast %reduce_sum3A_526 : i1 to vector<16xi1>
    %reduce_sum3A_528 = tpu.scan <sum>, %select_n3A_521 masked %reduce_sum3A_527 : vector<16xf32>, vector<16xi1> -> vector<16xf32>
    %reduce_sum3A_529 = vector.extract %reduce_sum3A_528[15] : f32 from vector<16xf32>
    %add3A_530 = arith.addf %reduce_sum3A_525, %reduce_sum3A_529 : f32
    %broadcast_in_dim3A_531 = arith.constant 19 : i32
    %broadcast_in_dim3A_532 = vector.broadcast %broadcast_in_dim3A_531 : i32 to vector<16xi32>
    %div3A_533 = vector.broadcast %add3A_530 : f32 to vector<16xf32>
    %div3A_534 = arith.divf %exp3A_517, %div3A_533 : vector<16xf32>
    tpu.vector_store_idx %arg6[%broadcast_in_dim3A_532, %iota3A], %div3A_534 : memref<40x32xf32, #tpu.memory_space<vmem>>[vector<16xi32>, vector<16xi32>], vector<16xf32>,
    %add3A_535 = arith.constant 16 : i32
    %add3A_536 = vector.broadcast %add3A_535 : i32 to vector<16xi32>
    %add3A_537 = arith.addi %iota3A, %add3A_536 : vector<16xi32>
    %div3A_538 = vector.broadcast %add3A_530 : f32 to vector<16xf32>
    %div3A_539 = arith.divf %select_n3A_521, %div3A_538 : vector<16xf32>
    tpu.vector_store_idx %arg6[%broadcast_in_dim3A_532, %add3A_537], %div3A_539 masked %lt3A_6 : memref<40x32xf32, #tpu.memory_space<vmem>>[vector<16xi32>, vector<16xi32>], vector<16xf32>, vector<16xi1>
    %get3A_540 = arith.constant 540 : index
    %get3A_541 = tpu.vector_load %arg5[%get3A_540] {strides = array<i32>} : memref<1096xf32, #tpu.memory_space<vmem>>, vector<16xf32>,
    %get3A_542 = arith.constant 556 : index
    %get3A_543 = tpu.vector_load %arg5[%get3A_542] {strides = array<i32>} : memref<1096xf32, #tpu.memory_space<vmem>>, vector<16xf32>,
    %exp3A_544 = math.exp %get3A_541 : vector<16xf32>
    %exp3A_545 = math.exp %get3A_543 : vector<16xf32>
    %jit3A_546 = arith.constant 0.000000e+00 : f32
    %broadcast_in_dim3A_547 = vector.broadcast %jit3A_546 : f32 to vector<16xf32>
    %select_n3A_548 = arith.select %lt3A_6, %exp3A_545, %broadcast_in_dim3A_547 : vector<16xi1>, vector<16xf32>
    %reduce_sum3A_549 = arith.constant true
    %reduce_sum3A_550 = vector.broadcast %reduce_sum3A_549 : i1 to vector<16xi1>
    %reduce_sum3A_551 = tpu.scan <sum>, %exp3A_544 masked %reduce_sum3A_550 : vector<16xf32>, vector<16xi1> -> vector<16xf32>
    %reduce_sum3A_552 = vector.extract %reduce_sum3A_551[15] : f32 from vector<16xf32>
    %reduce_sum3A_553 = arith.constant true
    %reduce_sum3A_554 = vector.broadcast %reduce_sum3A_553 : i1 to vector<16xi1>
    %reduce_sum3A_555 = tpu.scan <sum>, %select_n3A_548 masked %reduce_sum3A_554 : vector<16xf32>, vector<16xi1> -> vector<16xf32>
    %reduce_sum3A_556 = vector.extract %reduce_sum3A_555[15] : f32 from vector<16xf32>
    %add3A_557 = arith.addf %reduce_sum3A_552, %reduce_sum3A_556 : f32
    %broadcast_in_dim3A_558 = arith.constant 20 : i32
    %broadcast_in_dim3A_559 = vector.broadcast %broadcast_in_dim3A_558 : i32 to vector<16xi32>
    %div3A_560 = vector.broadcast %add3A_557 : f32 to vector<16xf32>
    %div3A_561 = arith.divf %exp3A_544, %div3A_560 : vector<16xf32>
    tpu.vector_store_idx %arg6[%broadcast_in_dim3A_559, %iota3A], %div3A_561 : memref<40x32xf32, #tpu.memory_space<vmem>>[vector<16xi32>, vector<16xi32>], vector<16xf32>,
    %add3A_562 = arith.constant 16 : i32
    %add3A_563 = vector.broadcast %add3A_562 : i32 to vector<16xi32>
    %add3A_564 = arith.addi %iota3A, %add3A_563 : vector<16xi32>
    %div3A_565 = vector.broadcast %add3A_557 : f32 to vector<16xf32>
    %div3A_566 = arith.divf %select_n3A_548, %div3A_565 : vector<16xf32>
    tpu.vector_store_idx %arg6[%broadcast_in_dim3A_559, %add3A_564], %div3A_566 masked %lt3A_6 : memref<40x32xf32, #tpu.memory_space<vmem>>[vector<16xi32>, vector<16xi32>], vector<16xf32>, vector<16xi1>
    %get3A_567 = arith.constant 567 : index
    %get3A_568 = tpu.vector_load %arg5[%get3A_567] {strides = array<i32>} : memref<1096xf32, #tpu.memory_space<vmem>>, vector<16xf32>,
    %get3A_569 = arith.constant 583 : index
    %get3A_570 = tpu.vector_load %arg5[%get3A_569] {strides = array<i32>} : memref<1096xf32, #tpu.memory_space<vmem>>, vector<16xf32>,
    %exp3A_571 = math.exp %get3A_568 : vector<16xf32>
    %exp3A_572 = math.exp %get3A_570 : vector<16xf32>
    %jit3A_573 = arith.constant 0.000000e+00 : f32
    %broadcast_in_dim3A_574 = vector.broadcast %jit3A_573 : f32 to vector<16xf32>
    %select_n3A_575 = arith.select %lt3A_6, %exp3A_572, %broadcast_in_dim3A_574 : vector<16xi1>, vector<16xf32>
    %reduce_sum3A_576 = arith.constant true
    %reduce_sum3A_577 = vector.broadcast %reduce_sum3A_576 : i1 to vector<16xi1>
    %reduce_sum3A_578 = tpu.scan <sum>, %exp3A_571 masked %reduce_sum3A_577 : vector<16xf32>, vector<16xi1> -> vector<16xf32>
    %reduce_sum3A_579 = vector.extract %reduce_sum3A_578[15] : f32 from vector<16xf32>
    %reduce_sum3A_580 = arith.constant true
    %reduce_sum3A_581 = vector.broadcast %reduce_sum3A_580 : i1 to vector<16xi1>
    %reduce_sum3A_582 = tpu.scan <sum>, %select_n3A_575 masked %reduce_sum3A_581 : vector<16xf32>, vector<16xi1> -> vector<16xf32>
    %reduce_sum3A_583 = vector.extract %reduce_sum3A_582[15] : f32 from vector<16xf32>
    %add3A_584 = arith.addf %reduce_sum3A_579, %reduce_sum3A_583 : f32
    %broadcast_in_dim3A_585 = arith.constant 21 : i32
    %broadcast_in_dim3A_586 = vector.broadcast %broadcast_in_dim3A_585 : i32 to vector<16xi32>
    %div3A_587 = vector.broadcast %add3A_584 : f32 to vector<16xf32>
    %div3A_588 = arith.divf %exp3A_571, %div3A_587 : vector<16xf32>
    tpu.vector_store_idx %arg6[%broadcast_in_dim3A_586, %iota3A], %div3A_588 : memref<40x32xf32, #tpu.memory_space<vmem>>[vector<16xi32>, vector<16xi32>], vector<16xf32>,
    %add3A_589 = arith.constant 16 : i32
    %add3A_590 = vector.broadcast %add3A_589 : i32 to vector<16xi32>
    %add3A_591 = arith.addi %iota3A, %add3A_590 : vector<16xi32>
    %div3A_592 = vector.broadcast %add3A_584 : f32 to vector<16xf32>
    %div3A_593 = arith.divf %select_n3A_575, %div3A_592 : vector<16xf32>
    tpu.vector_store_idx %arg6[%broadcast_in_dim3A_586, %add3A_591], %div3A_593 masked %lt3A_6 : memref<40x32xf32, #tpu.memory_space<vmem>>[vector<16xi32>, vector<16xi32>], vector<16xf32>, vector<16xi1>
    %get3A_594 = arith.constant 594 : index
    %get3A_595 = tpu.vector_load %arg5[%get3A_594] {strides = array<i32>} : memref<1096xf32, #tpu.memory_space<vmem>>, vector<16xf32>,
    %get3A_596 = arith.constant 610 : index
    %get3A_597 = tpu.vector_load %arg5[%get3A_596] {strides = array<i32>} : memref<1096xf32, #tpu.memory_space<vmem>>, vector<16xf32>,
    %exp3A_598 = math.exp %get3A_595 : vector<16xf32>
    %exp3A_599 = math.exp %get3A_597 : vector<16xf32>
    %jit3A_600 = arith.constant 0.000000e+00 : f32
    %broadcast_in_dim3A_601 = vector.broadcast %jit3A_600 : f32 to vector<16xf32>
    %select_n3A_602 = arith.select %lt3A_6, %exp3A_599, %broadcast_in_dim3A_601 : vector<16xi1>, vector<16xf32>
    %reduce_sum3A_603 = arith.constant true
    %reduce_sum3A_604 = vector.broadcast %reduce_sum3A_603 : i1 to vector<16xi1>
    %reduce_sum3A_605 = tpu.scan <sum>, %exp3A_598 masked %reduce_sum3A_604 : vector<16xf32>, vector<16xi1> -> vector<16xf32>
    %reduce_sum3A_606 = vector.extract %reduce_sum3A_605[15] : f32 from vector<16xf32>
    %reduce_sum3A_607 = arith.constant true
    %reduce_sum3A_608 = vector.broadcast %reduce_sum3A_607 : i1 to vector<16xi1>
    %reduce_sum3A_609 = tpu.scan <sum>, %select_n3A_602 masked %reduce_sum3A_608 : vector<16xf32>, vector<16xi1> -> vector<16xf32>
    %reduce_sum3A_610 = vector.extract %reduce_sum3A_609[15] : f32 from vector<16xf32>
    %add3A_611 = arith.addf %reduce_sum3A_606, %reduce_sum3A_610 : f32
    %broadcast_in_dim3A_612 = arith.constant 22 : i32
    %broadcast_in_dim3A_613 = vector.broadcast %broadcast_in_dim3A_612 : i32 to vector<16xi32>
    %div3A_614 = vector.broadcast %add3A_611 : f32 to vector<16xf32>
    %div3A_615 = arith.divf %exp3A_598, %div3A_614 : vector<16xf32>
    tpu.vector_store_idx %arg6[%broadcast_in_dim3A_613, %iota3A], %div3A_615 : memref<40x32xf32, #tpu.memory_space<vmem>>[vector<16xi32>, vector<16xi32>], vector<16xf32>,
    %add3A_616 = arith.constant 16 : i32
    %add3A_617 = vector.broadcast %add3A_616 : i32 to vector<16xi32>
    %add3A_618 = arith.addi %iota3A, %add3A_617 : vector<16xi32>
    %div3A_619 = vector.broadcast %add3A_611 : f32 to vector<16xf32>
    %div3A_620 = arith.divf %select_n3A_602, %div3A_619 : vector<16xf32>
    tpu.vector_store_idx %arg6[%broadcast_in_dim3A_613, %add3A_618], %div3A_620 masked %lt3A_6 : memref<40x32xf32, #tpu.memory_space<vmem>>[vector<16xi32>, vector<16xi32>], vector<16xf32>, vector<16xi1>
    %get3A_621 = arith.constant 621 : index
    %get3A_622 = tpu.vector_load %arg5[%get3A_621] {strides = array<i32>} : memref<1096xf32, #tpu.memory_space<vmem>>, vector<16xf32>,
    %get3A_623 = arith.constant 637 : index
    %get3A_624 = tpu.vector_load %arg5[%get3A_623] {strides = array<i32>} : memref<1096xf32, #tpu.memory_space<vmem>>, vector<16xf32>,
    %exp3A_625 = math.exp %get3A_622 : vector<16xf32>
    %exp3A_626 = math.exp %get3A_624 : vector<16xf32>
    %jit3A_627 = arith.constant 0.000000e+00 : f32
    %broadcast_in_dim3A_628 = vector.broadcast %jit3A_627 : f32 to vector<16xf32>
    %select_n3A_629 = arith.select %lt3A_6, %exp3A_626, %broadcast_in_dim3A_628 : vector<16xi1>, vector<16xf32>
    %reduce_sum3A_630 = arith.constant true
    %reduce_sum3A_631 = vector.broadcast %reduce_sum3A_630 : i1 to vector<16xi1>
    %reduce_sum3A_632 = tpu.scan <sum>, %exp3A_625 masked %reduce_sum3A_631 : vector<16xf32>, vector<16xi1> -> vector<16xf32>
    %reduce_sum3A_633 = vector.extract %reduce_sum3A_632[15] : f32 from vector<16xf32>
    %reduce_sum3A_634 = arith.constant true
    %reduce_sum3A_635 = vector.broadcast %reduce_sum3A_634 : i1 to vector<16xi1>
    %reduce_sum3A_636 = tpu.scan <sum>, %select_n3A_629 masked %reduce_sum3A_635 : vector<16xf32>, vector<16xi1> -> vector<16xf32>
    %reduce_sum3A_637 = vector.extract %reduce_sum3A_636[15] : f32 from vector<16xf32>
    %add3A_638 = arith.addf %reduce_sum3A_633, %reduce_sum3A_637 : f32
    %broadcast_in_dim3A_639 = arith.constant 23 : i32
    %broadcast_in_dim3A_640 = vector.broadcast %broadcast_in_dim3A_639 : i32 to vector<16xi32>
    %div3A_641 = vector.broadcast %add3A_638 : f32 to vector<16xf32>
    %div3A_642 = arith.divf %exp3A_625, %div3A_641 : vector<16xf32>
    tpu.vector_store_idx %arg6[%broadcast_in_dim3A_640, %iota3A], %div3A_642 : memref<40x32xf32, #tpu.memory_space<vmem>>[vector<16xi32>, vector<16xi32>], vector<16xf32>,
    %add3A_643 = arith.constant 16 : i32
    %add3A_644 = vector.broadcast %add3A_643 : i32 to vector<16xi32>
    %add3A_645 = arith.addi %iota3A, %add3A_644 : vector<16xi32>
    %div3A_646 = vector.broadcast %add3A_638 : f32 to vector<16xf32>
    %div3A_647 = arith.divf %select_n3A_629, %div3A_646 : vector<16xf32>
    tpu.vector_store_idx %arg6[%broadcast_in_dim3A_640, %add3A_645], %div3A_647 masked %lt3A_6 : memref<40x32xf32, #tpu.memory_space<vmem>>[vector<16xi32>, vector<16xi32>], vector<16xf32>, vector<16xi1>
    %get3A_648 = arith.constant 648 : index
    %get3A_649 = tpu.vector_load %arg5[%get3A_648] {strides = array<i32>} : memref<1096xf32, #tpu.memory_space<vmem>>, vector<16xf32>,
    %get3A_650 = arith.constant 664 : index
    %get3A_651 = tpu.vector_load %arg5[%get3A_650] {strides = array<i32>} : memref<1096xf32, #tpu.memory_space<vmem>>, vector<16xf32>,
    %exp3A_652 = math.exp %get3A_649 : vector<16xf32>
    %exp3A_653 = math.exp %get3A_651 : vector<16xf32>
    %jit3A_654 = arith.constant 0.000000e+00 : f32
    %broadcast_in_dim3A_655 = vector.broadcast %jit3A_654 : f32 to vector<16xf32>
    %select_n3A_656 = arith.select %lt3A_6, %exp3A_653, %broadcast_in_dim3A_655 : vector<16xi1>, vector<16xf32>
    %reduce_sum3A_657 = arith.constant true
    %reduce_sum3A_658 = vector.broadcast %reduce_sum3A_657 : i1 to vector<16xi1>
    %reduce_sum3A_659 = tpu.scan <sum>, %exp3A_652 masked %reduce_sum3A_658 : vector<16xf32>, vector<16xi1> -> vector<16xf32>
    %reduce_sum3A_660 = vector.extract %reduce_sum3A_659[15] : f32 from vector<16xf32>
    %reduce_sum3A_661 = arith.constant true
    %reduce_sum3A_662 = vector.broadcast %reduce_sum3A_661 : i1 to vector<16xi1>
    %reduce_sum3A_663 = tpu.scan <sum>, %select_n3A_656 masked %reduce_sum3A_662 : vector<16xf32>, vector<16xi1> -> vector<16xf32>
    %reduce_sum3A_664 = vector.extract %reduce_sum3A_663[15] : f32 from vector<16xf32>
    %add3A_665 = arith.addf %reduce_sum3A_660, %reduce_sum3A_664 : f32
    %broadcast_in_dim3A_666 = arith.constant 24 : i32
    %broadcast_in_dim3A_667 = vector.broadcast %broadcast_in_dim3A_666 : i32 to vector<16xi32>
    %div3A_668 = vector.broadcast %add3A_665 : f32 to vector<16xf32>
    %div3A_669 = arith.divf %exp3A_652, %div3A_668 : vector<16xf32>
    tpu.vector_store_idx %arg6[%broadcast_in_dim3A_667, %iota3A], %div3A_669 : memref<40x32xf32, #tpu.memory_space<vmem>>[vector<16xi32>, vector<16xi32>], vector<16xf32>,
    %add3A_670 = arith.constant 16 : i32
    %add3A_671 = vector.broadcast %add3A_670 : i32 to vector<16xi32>
    %add3A_672 = arith.addi %iota3A, %add3A_671 : vector<16xi32>
    %div3A_673 = vector.broadcast %add3A_665 : f32 to vector<16xf32>
    %div3A_674 = arith.divf %select_n3A_656, %div3A_673 : vector<16xf32>
    tpu.vector_store_idx %arg6[%broadcast_in_dim3A_667, %add3A_672], %div3A_674 masked %lt3A_6 : memref<40x32xf32, #tpu.memory_space<vmem>>[vector<16xi32>, vector<16xi32>], vector<16xf32>, vector<16xi1>
    %get3A_675 = arith.constant 675 : index
    %get3A_676 = tpu.vector_load %arg5[%get3A_675] {strides = array<i32>} : memref<1096xf32, #tpu.memory_space<vmem>>, vector<16xf32>,
    %get3A_677 = arith.constant 691 : index
    %get3A_678 = tpu.vector_load %arg5[%get3A_677] {strides = array<i32>} : memref<1096xf32, #tpu.memory_space<vmem>>, vector<16xf32>,
    %exp3A_679 = math.exp %get3A_676 : vector<16xf32>
    %exp3A_680 = math.exp %get3A_678 : vector<16xf32>
    %jit3A_681 = arith.constant 0.000000e+00 : f32
    %broadcast_in_dim3A_682 = vector.broadcast %jit3A_681 : f32 to vector<16xf32>
    %select_n3A_683 = arith.select %lt3A_6, %exp3A_680, %broadcast_in_dim3A_682 : vector<16xi1>, vector<16xf32>
    %reduce_sum3A_684 = arith.constant true
    %reduce_sum3A_685 = vector.broadcast %reduce_sum3A_684 : i1 to vector<16xi1>
    %reduce_sum3A_686 = tpu.scan <sum>, %exp3A_679 masked %reduce_sum3A_685 : vector<16xf32>, vector<16xi1> -> vector<16xf32>
    %reduce_sum3A_687 = vector.extract %reduce_sum3A_686[15] : f32 from vector<16xf32>
    %reduce_sum3A_688 = arith.constant true
    %reduce_sum3A_689 = vector.broadcast %reduce_sum3A_688 : i1 to vector<16xi1>
    %reduce_sum3A_690 = tpu.scan <sum>, %select_n3A_683 masked %reduce_sum3A_689 : vector<16xf32>, vector<16xi1> -> vector<16xf32>
    %reduce_sum3A_691 = vector.extract %reduce_sum3A_690[15] : f32 from vector<16xf32>
    %add3A_692 = arith.addf %reduce_sum3A_687, %reduce_sum3A_691 : f32
    %broadcast_in_dim3A_693 = arith.constant 25 : i32
    %broadcast_in_dim3A_694 = vector.broadcast %broadcast_in_dim3A_693 : i32 to vector<16xi32>
    %div3A_695 = vector.broadcast %add3A_692 : f32 to vector<16xf32>
    %div3A_696 = arith.divf %exp3A_679, %div3A_695 : vector<16xf32>
    tpu.vector_store_idx %arg6[%broadcast_in_dim3A_694, %iota3A], %div3A_696 : memref<40x32xf32, #tpu.memory_space<vmem>>[vector<16xi32>, vector<16xi32>], vector<16xf32>,
    %add3A_697 = arith.constant 16 : i32
    %add3A_698 = vector.broadcast %add3A_697 : i32 to vector<16xi32>
    %add3A_699 = arith.addi %iota3A, %add3A_698 : vector<16xi32>
    %div3A_700 = vector.broadcast %add3A_692 : f32 to vector<16xf32>
    %div3A_701 = arith.divf %select_n3A_683, %div3A_700 : vector<16xf32>
    tpu.vector_store_idx %arg6[%broadcast_in_dim3A_694, %add3A_699], %div3A_701 masked %lt3A_6 : memref<40x32xf32, #tpu.memory_space<vmem>>[vector<16xi32>, vector<16xi32>], vector<16xf32>, vector<16xi1>
    %get3A_702 = arith.constant 702 : index
    %get3A_703 = tpu.vector_load %arg5[%get3A_702] {strides = array<i32>} : memref<1096xf32, #tpu.memory_space<vmem>>, vector<16xf32>,
    %get3A_704 = arith.constant 718 : index
    %get3A_705 = tpu.vector_load %arg5[%get3A_704] {strides = array<i32>} : memref<1096xf32, #tpu.memory_space<vmem>>, vector<16xf32>,
    %exp3A_706 = math.exp %get3A_703 : vector<16xf32>
    %exp3A_707 = math.exp %get3A_705 : vector<16xf32>
    %jit3A_708 = arith.constant 0.000000e+00 : f32
    %broadcast_in_dim3A_709 = vector.broadcast %jit3A_708 : f32 to vector<16xf32>
    %select_n3A_710 = arith.select %lt3A_6, %exp3A_707, %broadcast_in_dim3A_709 : vector<16xi1>, vector<16xf32>
    %reduce_sum3A_711 = arith.constant true
    %reduce_sum3A_712 = vector.broadcast %reduce_sum3A_711 : i1 to vector<16xi1>
    %reduce_sum3A_713 = tpu.scan <sum>, %exp3A_706 masked %reduce_sum3A_712 : vector<16xf32>, vector<16xi1> -> vector<16xf32>
    %reduce_sum3A_714 = vector.extract %reduce_sum3A_713[15] : f32 from vector<16xf32>
    %reduce_sum3A_715 = arith.constant true
    %reduce_sum3A_716 = vector.broadcast %reduce_sum3A_715 : i1 to vector<16xi1>
    %reduce_sum3A_717 = tpu.scan <sum>, %select_n3A_710 masked %reduce_sum3A_716 : vector<16xf32>, vector<16xi1> -> vector<16xf32>
    %reduce_sum3A_718 = vector.extract %reduce_sum3A_717[15] : f32 from vector<16xf32>
    %add3A_719 = arith.addf %reduce_sum3A_714, %reduce_sum3A_718 : f32
    %broadcast_in_dim3A_720 = arith.constant 26 : i32
    %broadcast_in_dim3A_721 = vector.broadcast %broadcast_in_dim3A_720 : i32 to vector<16xi32>
    %div3A_722 = vector.broadcast %add3A_719 : f32 to vector<16xf32>
    %div3A_723 = arith.divf %exp3A_706, %div3A_722 : vector<16xf32>
    tpu.vector_store_idx %arg6[%broadcast_in_dim3A_721, %iota3A], %div3A_723 : memref<40x32xf32, #tpu.memory_space<vmem>>[vector<16xi32>, vector<16xi32>], vector<16xf32>,
    %add3A_724 = arith.constant 16 : i32
    %add3A_725 = vector.broadcast %add3A_724 : i32 to vector<16xi32>
    %add3A_726 = arith.addi %iota3A, %add3A_725 : vector<16xi32>
    %div3A_727 = vector.broadcast %add3A_719 : f32 to vector<16xf32>
    %div3A_728 = arith.divf %select_n3A_710, %div3A_727 : vector<16xf32>
    tpu.vector_store_idx %arg6[%broadcast_in_dim3A_721, %add3A_726], %div3A_728 masked %lt3A_6 : memref<40x32xf32, #tpu.memory_space<vmem>>[vector<16xi32>, vector<16xi32>], vector<16xf32>, vector<16xi1>
    %get3A_729 = arith.constant 729 : index
    %get3A_730 = tpu.vector_load %arg5[%get3A_729] {strides = array<i32>} : memref<1096xf32, #tpu.memory_space<vmem>>, vector<16xf32>,
    %get3A_731 = arith.constant 745 : index
    %get3A_732 = tpu.vector_load %arg5[%get3A_731] {strides = array<i32>} : memref<1096xf32, #tpu.memory_space<vmem>>, vector<16xf32>,
    %exp3A_733 = math.exp %get3A_730 : vector<16xf32>
    %exp3A_734 = math.exp %get3A_732 : vector<16xf32>
    %jit3A_735 = arith.constant 0.000000e+00 : f32
    %broadcast_in_dim3A_736 = vector.broadcast %jit3A_735 : f32 to vector<16xf32>
    %select_n3A_737 = arith.select %lt3A_6, %exp3A_734, %broadcast_in_dim3A_736 : vector<16xi1>, vector<16xf32>
    %reduce_sum3A_738 = arith.constant true
    %reduce_sum3A_739 = vector.broadcast %reduce_sum3A_738 : i1 to vector<16xi1>
    %reduce_sum3A_740 = tpu.scan <sum>, %exp3A_733 masked %reduce_sum3A_739 : vector<16xf32>, vector<16xi1> -> vector<16xf32>
    %reduce_sum3A_741 = vector.extract %reduce_sum3A_740[15] : f32 from vector<16xf32>
    %reduce_sum3A_742 = arith.constant true
    %reduce_sum3A_743 = vector.broadcast %reduce_sum3A_742 : i1 to vector<16xi1>
    %reduce_sum3A_744 = tpu.scan <sum>, %select_n3A_737 masked %reduce_sum3A_743 : vector<16xf32>, vector<16xi1> -> vector<16xf32>
    %reduce_sum3A_745 = vector.extract %reduce_sum3A_744[15] : f32 from vector<16xf32>
    %add3A_746 = arith.addf %reduce_sum3A_741, %reduce_sum3A_745 : f32
    %broadcast_in_dim3A_747 = arith.constant 27 : i32
    %broadcast_in_dim3A_748 = vector.broadcast %broadcast_in_dim3A_747 : i32 to vector<16xi32>
    %div3A_749 = vector.broadcast %add3A_746 : f32 to vector<16xf32>
    %div3A_750 = arith.divf %exp3A_733, %div3A_749 : vector<16xf32>
    tpu.vector_store_idx %arg6[%broadcast_in_dim3A_748, %iota3A], %div3A_750 : memref<40x32xf32, #tpu.memory_space<vmem>>[vector<16xi32>, vector<16xi32>], vector<16xf32>,
    %add3A_751 = arith.constant 16 : i32
    %add3A_752 = vector.broadcast %add3A_751 : i32 to vector<16xi32>
    %add3A_753 = arith.addi %iota3A, %add3A_752 : vector<16xi32>
    %div3A_754 = vector.broadcast %add3A_746 : f32 to vector<16xf32>
    %div3A_755 = arith.divf %select_n3A_737, %div3A_754 : vector<16xf32>
    tpu.vector_store_idx %arg6[%broadcast_in_dim3A_748, %add3A_753], %div3A_755 masked %lt3A_6 : memref<40x32xf32, #tpu.memory_space<vmem>>[vector<16xi32>, vector<16xi32>], vector<16xf32>, vector<16xi1>
    %get3A_756 = arith.constant 756 : index
    %get3A_757 = tpu.vector_load %arg5[%get3A_756] {strides = array<i32>} : memref<1096xf32, #tpu.memory_space<vmem>>, vector<16xf32>,
    %get3A_758 = arith.constant 772 : index
    %get3A_759 = tpu.vector_load %arg5[%get3A_758] {strides = array<i32>} : memref<1096xf32, #tpu.memory_space<vmem>>, vector<16xf32>,
    %exp3A_760 = math.exp %get3A_757 : vector<16xf32>
    %exp3A_761 = math.exp %get3A_759 : vector<16xf32>
    %jit3A_762 = arith.constant 0.000000e+00 : f32
    %broadcast_in_dim3A_763 = vector.broadcast %jit3A_762 : f32 to vector<16xf32>
    %select_n3A_764 = arith.select %lt3A_6, %exp3A_761, %broadcast_in_dim3A_763 : vector<16xi1>, vector<16xf32>
    %reduce_sum3A_765 = arith.constant true
    %reduce_sum3A_766 = vector.broadcast %reduce_sum3A_765 : i1 to vector<16xi1>
    %reduce_sum3A_767 = tpu.scan <sum>, %exp3A_760 masked %reduce_sum3A_766 : vector<16xf32>, vector<16xi1> -> vector<16xf32>
    %reduce_sum3A_768 = vector.extract %reduce_sum3A_767[15] : f32 from vector<16xf32>
    %reduce_sum3A_769 = arith.constant true
    %reduce_sum3A_770 = vector.broadcast %reduce_sum3A_769 : i1 to vector<16xi1>
    %reduce_sum3A_771 = tpu.scan <sum>, %select_n3A_764 masked %reduce_sum3A_770 : vector<16xf32>, vector<16xi1> -> vector<16xf32>
    %reduce_sum3A_772 = vector.extract %reduce_sum3A_771[15] : f32 from vector<16xf32>
    %add3A_773 = arith.addf %reduce_sum3A_768, %reduce_sum3A_772 : f32
    %broadcast_in_dim3A_774 = arith.constant 28 : i32
    %broadcast_in_dim3A_775 = vector.broadcast %broadcast_in_dim3A_774 : i32 to vector<16xi32>
    %div3A_776 = vector.broadcast %add3A_773 : f32 to vector<16xf32>
    %div3A_777 = arith.divf %exp3A_760, %div3A_776 : vector<16xf32>
    tpu.vector_store_idx %arg6[%broadcast_in_dim3A_775, %iota3A], %div3A_777 : memref<40x32xf32, #tpu.memory_space<vmem>>[vector<16xi32>, vector<16xi32>], vector<16xf32>,
    %add3A_778 = arith.constant 16 : i32
    %add3A_779 = vector.broadcast %add3A_778 : i32 to vector<16xi32>
    %add3A_780 = arith.addi %iota3A, %add3A_779 : vector<16xi32>
    %div3A_781 = vector.broadcast %add3A_773 : f32 to vector<16xf32>
    %div3A_782 = arith.divf %select_n3A_764, %div3A_781 : vector<16xf32>
    tpu.vector_store_idx %arg6[%broadcast_in_dim3A_775, %add3A_780], %div3A_782 masked %lt3A_6 : memref<40x32xf32, #tpu.memory_space<vmem>>[vector<16xi32>, vector<16xi32>], vector<16xf32>, vector<16xi1>
    %get3A_783 = arith.constant 783 : index
    %get3A_784 = tpu.vector_load %arg5[%get3A_783] {strides = array<i32>} : memref<1096xf32, #tpu.memory_space<vmem>>, vector<16xf32>,
    %get3A_785 = arith.constant 799 : index
    %get3A_786 = tpu.vector_load %arg5[%get3A_785] {strides = array<i32>} : memref<1096xf32, #tpu.memory_space<vmem>>, vector<16xf32>,
    %exp3A_787 = math.exp %get3A_784 : vector<16xf32>
    %exp3A_788 = math.exp %get3A_786 : vector<16xf32>
    %jit3A_789 = arith.constant 0.000000e+00 : f32
    %broadcast_in_dim3A_790 = vector.broadcast %jit3A_789 : f32 to vector<16xf32>
    %select_n3A_791 = arith.select %lt3A_6, %exp3A_788, %broadcast_in_dim3A_790 : vector<16xi1>, vector<16xf32>
    %reduce_sum3A_792 = arith.constant true
    %reduce_sum3A_793 = vector.broadcast %reduce_sum3A_792 : i1 to vector<16xi1>
    %reduce_sum3A_794 = tpu.scan <sum>, %exp3A_787 masked %reduce_sum3A_793 : vector<16xf32>, vector<16xi1> -> vector<16xf32>
    %reduce_sum3A_795 = vector.extract %reduce_sum3A_794[15] : f32 from vector<16xf32>
    %reduce_sum3A_796 = arith.constant true
    %reduce_sum3A_797 = vector.broadcast %reduce_sum3A_796 : i1 to vector<16xi1>
    %reduce_sum3A_798 = tpu.scan <sum>, %select_n3A_791 masked %reduce_sum3A_797 : vector<16xf32>, vector<16xi1> -> vector<16xf32>
    %reduce_sum3A_799 = vector.extract %reduce_sum3A_798[15] : f32 from vector<16xf32>
    %add3A_800 = arith.addf %reduce_sum3A_795, %reduce_sum3A_799 : f32
    %broadcast_in_dim3A_801 = arith.constant 29 : i32
    %broadcast_in_dim3A_802 = vector.broadcast %broadcast_in_dim3A_801 : i32 to vector<16xi32>
    %div3A_803 = vector.broadcast %add3A_800 : f32 to vector<16xf32>
    %div3A_804 = arith.divf %exp3A_787, %div3A_803 : vector<16xf32>
    tpu.vector_store_idx %arg6[%broadcast_in_dim3A_802, %iota3A], %div3A_804 : memref<40x32xf32, #tpu.memory_space<vmem>>[vector<16xi32>, vector<16xi32>], vector<16xf32>,
    %add3A_805 = arith.constant 16 : i32
    %add3A_806 = vector.broadcast %add3A_805 : i32 to vector<16xi32>
    %add3A_807 = arith.addi %iota3A, %add3A_806 : vector<16xi32>
    %div3A_808 = vector.broadcast %add3A_800 : f32 to vector<16xf32>
    %div3A_809 = arith.divf %select_n3A_791, %div3A_808 : vector<16xf32>
    tpu.vector_store_idx %arg6[%broadcast_in_dim3A_802, %add3A_807], %div3A_809 masked %lt3A_6 : memref<40x32xf32, #tpu.memory_space<vmem>>[vector<16xi32>, vector<16xi32>], vector<16xf32>, vector<16xi1>
    %get3A_810 = arith.constant 810 : index
    %get3A_811 = tpu.vector_load %arg5[%get3A_810] {strides = array<i32>} : memref<1096xf32, #tpu.memory_space<vmem>>, vector<16xf32>,
    %get3A_812 = arith.constant 826 : index
    %get3A_813 = tpu.vector_load %arg5[%get3A_812] {strides = array<i32>} : memref<1096xf32, #tpu.memory_space<vmem>>, vector<16xf32>,
    %exp3A_814 = math.exp %get3A_811 : vector<16xf32>
    %exp3A_815 = math.exp %get3A_813 : vector<16xf32>
    %jit3A_816 = arith.constant 0.000000e+00 : f32
    %broadcast_in_dim3A_817 = vector.broadcast %jit3A_816 : f32 to vector<16xf32>
    %select_n3A_818 = arith.select %lt3A_6, %exp3A_815, %broadcast_in_dim3A_817 : vector<16xi1>, vector<16xf32>
    %reduce_sum3A_819 = arith.constant true
    %reduce_sum3A_820 = vector.broadcast %reduce_sum3A_819 : i1 to vector<16xi1>
    %reduce_sum3A_821 = tpu.scan <sum>, %exp3A_814 masked %reduce_sum3A_820 : vector<16xf32>, vector<16xi1> -> vector<16xf32>
    %reduce_sum3A_822 = vector.extract %reduce_sum3A_821[15] : f32 from vector<16xf32>
    %reduce_sum3A_823 = arith.constant true
    %reduce_sum3A_824 = vector.broadcast %reduce_sum3A_823 : i1 to vector<16xi1>
    %reduce_sum3A_825 = tpu.scan <sum>, %select_n3A_818 masked %reduce_sum3A_824 : vector<16xf32>, vector<16xi1> -> vector<16xf32>
    %reduce_sum3A_826 = vector.extract %reduce_sum3A_825[15] : f32 from vector<16xf32>
    %add3A_827 = arith.addf %reduce_sum3A_822, %reduce_sum3A_826 : f32
    %broadcast_in_dim3A_828 = arith.constant 30 : i32
    %broadcast_in_dim3A_829 = vector.broadcast %broadcast_in_dim3A_828 : i32 to vector<16xi32>
    %div3A_830 = vector.broadcast %add3A_827 : f32 to vector<16xf32>
    %div3A_831 = arith.divf %exp3A_814, %div3A_830 : vector<16xf32>
    tpu.vector_store_idx %arg6[%broadcast_in_dim3A_829, %iota3A], %div3A_831 : memref<40x32xf32, #tpu.memory_space<vmem>>[vector<16xi32>, vector<16xi32>], vector<16xf32>,
    %add3A_832 = arith.constant 16 : i32
    %add3A_833 = vector.broadcast %add3A_832 : i32 to vector<16xi32>
    %add3A_834 = arith.addi %iota3A, %add3A_833 : vector<16xi32>
    %div3A_835 = vector.broadcast %add3A_827 : f32 to vector<16xf32>
    %div3A_836 = arith.divf %select_n3A_818, %div3A_835 : vector<16xf32>
    tpu.vector_store_idx %arg6[%broadcast_in_dim3A_829, %add3A_834], %div3A_836 masked %lt3A_6 : memref<40x32xf32, #tpu.memory_space<vmem>>[vector<16xi32>, vector<16xi32>], vector<16xf32>, vector<16xi1>
    %get3A_837 = arith.constant 837 : index
    %get3A_838 = tpu.vector_load %arg5[%get3A_837] {strides = array<i32>} : memref<1096xf32, #tpu.memory_space<vmem>>, vector<16xf32>,
    %get3A_839 = arith.constant 853 : index
    %get3A_840 = tpu.vector_load %arg5[%get3A_839] {strides = array<i32>} : memref<1096xf32, #tpu.memory_space<vmem>>, vector<16xf32>,
    %exp3A_841 = math.exp %get3A_838 : vector<16xf32>
    %exp3A_842 = math.exp %get3A_840 : vector<16xf32>
    %jit3A_843 = arith.constant 0.000000e+00 : f32
    %broadcast_in_dim3A_844 = vector.broadcast %jit3A_843 : f32 to vector<16xf32>
    %select_n3A_845 = arith.select %lt3A_6, %exp3A_842, %broadcast_in_dim3A_844 : vector<16xi1>, vector<16xf32>
    %reduce_sum3A_846 = arith.constant true
    %reduce_sum3A_847 = vector.broadcast %reduce_sum3A_846 : i1 to vector<16xi1>
    %reduce_sum3A_848 = tpu.scan <sum>, %exp3A_841 masked %reduce_sum3A_847 : vector<16xf32>, vector<16xi1> -> vector<16xf32>
    %reduce_sum3A_849 = vector.extract %reduce_sum3A_848[15] : f32 from vector<16xf32>
    %reduce_sum3A_850 = arith.constant true
    %reduce_sum3A_851 = vector.broadcast %reduce_sum3A_850 : i1 to vector<16xi1>
    %reduce_sum3A_852 = tpu.scan <sum>, %select_n3A_845 masked %reduce_sum3A_851 : vector<16xf32>, vector<16xi1> -> vector<16xf32>
    %reduce_sum3A_853 = vector.extract %reduce_sum3A_852[15] : f32 from vector<16xf32>
    %add3A_854 = arith.addf %reduce_sum3A_849, %reduce_sum3A_853 : f32
    %broadcast_in_dim3A_855 = arith.constant 31 : i32
    %broadcast_in_dim3A_856 = vector.broadcast %broadcast_in_dim3A_855 : i32 to vector<16xi32>
    %div3A_857 = vector.broadcast %add3A_854 : f32 to vector<16xf32>
    %div3A_858 = arith.divf %exp3A_841, %div3A_857 : vector<16xf32>
    tpu.vector_store_idx %arg6[%broadcast_in_dim3A_856, %iota3A], %div3A_858 : memref<40x32xf32, #tpu.memory_space<vmem>>[vector<16xi32>, vector<16xi32>], vector<16xf32>,
    %add3A_859 = arith.constant 16 : i32
    %add3A_860 = vector.broadcast %add3A_859 : i32 to vector<16xi32>
    %add3A_861 = arith.addi %iota3A, %add3A_860 : vector<16xi32>
    %div3A_862 = vector.broadcast %add3A_854 : f32 to vector<16xf32>
    %div3A_863 = arith.divf %select_n3A_845, %div3A_862 : vector<16xf32>
    tpu.vector_store_idx %arg6[%broadcast_in_dim3A_856, %add3A_861], %div3A_863 masked %lt3A_6 : memref<40x32xf32, #tpu.memory_space<vmem>>[vector<16xi32>, vector<16xi32>], vector<16xf32>, vector<16xi1>
    %get3A_864 = arith.constant 864 : index
    %get3A_865 = tpu.vector_load %arg5[%get3A_864] {strides = array<i32>} : memref<1096xf32, #tpu.memory_space<vmem>>, vector<16xf32>,
    %get3A_866 = arith.constant 880 : index
    %get3A_867 = tpu.vector_load %arg5[%get3A_866] {strides = array<i32>} : memref<1096xf32, #tpu.memory_space<vmem>>, vector<16xf32>,
    %exp3A_868 = math.exp %get3A_865 : vector<16xf32>
    %exp3A_869 = math.exp %get3A_867 : vector<16xf32>
    %jit3A_870 = arith.constant 0.000000e+00 : f32
    %broadcast_in_dim3A_871 = vector.broadcast %jit3A_870 : f32 to vector<16xf32>
    %select_n3A_872 = arith.select %lt3A_6, %exp3A_869, %broadcast_in_dim3A_871 : vector<16xi1>, vector<16xf32>
    %reduce_sum3A_873 = arith.constant true
    %reduce_sum3A_874 = vector.broadcast %reduce_sum3A_873 : i1 to vector<16xi1>
    %reduce_sum3A_875 = tpu.scan <sum>, %exp3A_868 masked %reduce_sum3A_874 : vector<16xf32>, vector<16xi1> -> vector<16xf32>
    %reduce_sum3A_876 = vector.extract %reduce_sum3A_875[15] : f32 from vector<16xf32>
    %reduce_sum3A_877 = arith.constant true
    %reduce_sum3A_878 = vector.broadcast %reduce_sum3A_877 : i1 to vector<16xi1>
    %reduce_sum3A_879 = tpu.scan <sum>, %select_n3A_872 masked %reduce_sum3A_878 : vector<16xf32>, vector<16xi1> -> vector<16xf32>
    %reduce_sum3A_880 = vector.extract %reduce_sum3A_879[15] : f32 from vector<16xf32>
    %add3A_881 = arith.addf %reduce_sum3A_876, %reduce_sum3A_880 : f32
    %broadcast_in_dim3A_882 = arith.constant 32 : i32
    %broadcast_in_dim3A_883 = vector.broadcast %broadcast_in_dim3A_882 : i32 to vector<16xi32>
    %div3A_884 = vector.broadcast %add3A_881 : f32 to vector<16xf32>
    %div3A_885 = arith.divf %exp3A_868, %div3A_884 : vector<16xf32>
    tpu.vector_store_idx %arg6[%broadcast_in_dim3A_883, %iota3A], %div3A_885 : memref<40x32xf32, #tpu.memory_space<vmem>>[vector<16xi32>, vector<16xi32>], vector<16xf32>,
    %add3A_886 = arith.constant 16 : i32
    %add3A_887 = vector.broadcast %add3A_886 : i32 to vector<16xi32>
    %add3A_888 = arith.addi %iota3A, %add3A_887 : vector<16xi32>
    %div3A_889 = vector.broadcast %add3A_881 : f32 to vector<16xf32>
    %div3A_890 = arith.divf %select_n3A_872, %div3A_889 : vector<16xf32>
    tpu.vector_store_idx %arg6[%broadcast_in_dim3A_883, %add3A_888], %div3A_890 masked %lt3A_6 : memref<40x32xf32, #tpu.memory_space<vmem>>[vector<16xi32>, vector<16xi32>], vector<16xf32>, vector<16xi1>
    %get3A_891 = arith.constant 891 : index
    %get3A_892 = tpu.vector_load %arg5[%get3A_891] {strides = array<i32>} : memref<1096xf32, #tpu.memory_space<vmem>>, vector<16xf32>,
    %get3A_893 = arith.constant 907 : index
    %get3A_894 = tpu.vector_load %arg5[%get3A_893] {strides = array<i32>} : memref<1096xf32, #tpu.memory_space<vmem>>, vector<16xf32>,
    %exp3A_895 = math.exp %get3A_892 : vector<16xf32>
    %exp3A_896 = math.exp %get3A_894 : vector<16xf32>
    %jit3A_897 = arith.constant 0.000000e+00 : f32
    %broadcast_in_dim3A_898 = vector.broadcast %jit3A_897 : f32 to vector<16xf32>
    %select_n3A_899 = arith.select %lt3A_6, %exp3A_896, %broadcast_in_dim3A_898 : vector<16xi1>, vector<16xf32>
    %reduce_sum3A_900 = arith.constant true
    %reduce_sum3A_901 = vector.broadcast %reduce_sum3A_900 : i1 to vector<16xi1>
    %reduce_sum3A_902 = tpu.scan <sum>, %exp3A_895 masked %reduce_sum3A_901 : vector<16xf32>, vector<16xi1> -> vector<16xf32>
    %reduce_sum3A_903 = vector.extract %reduce_sum3A_902[15] : f32 from vector<16xf32>
    %reduce_sum3A_904 = arith.constant true
    %reduce_sum3A_905 = vector.broadcast %reduce_sum3A_904 : i1 to vector<16xi1>
    %reduce_sum3A_906 = tpu.scan <sum>, %select_n3A_899 masked %reduce_sum3A_905 : vector<16xf32>, vector<16xi1> -> vector<16xf32>
    %reduce_sum3A_907 = vector.extract %reduce_sum3A_906[15] : f32 from vector<16xf32>
    %add3A_908 = arith.addf %reduce_sum3A_903, %reduce_sum3A_907 : f32
    %broadcast_in_dim3A_909 = arith.constant 33 : i32
    %broadcast_in_dim3A_910 = vector.broadcast %broadcast_in_dim3A_909 : i32 to vector<16xi32>
    %div3A_911 = vector.broadcast %add3A_908 : f32 to vector<16xf32>
    %div3A_912 = arith.divf %exp3A_895, %div3A_911 : vector<16xf32>
    tpu.vector_store_idx %arg6[%broadcast_in_dim3A_910, %iota3A], %div3A_912 : memref<40x32xf32, #tpu.memory_space<vmem>>[vector<16xi32>, vector<16xi32>], vector<16xf32>,
    %add3A_913 = arith.constant 16 : i32
    %add3A_914 = vector.broadcast %add3A_913 : i32 to vector<16xi32>
    %add3A_915 = arith.addi %iota3A, %add3A_914 : vector<16xi32>
    %div3A_916 = vector.broadcast %add3A_908 : f32 to vector<16xf32>
    %div3A_917 = arith.divf %select_n3A_899, %div3A_916 : vector<16xf32>
    tpu.vector_store_idx %arg6[%broadcast_in_dim3A_910, %add3A_915], %div3A_917 masked %lt3A_6 : memref<40x32xf32, #tpu.memory_space<vmem>>[vector<16xi32>, vector<16xi32>], vector<16xf32>, vector<16xi1>
    %get3A_918 = arith.constant 918 : index
    %get3A_919 = tpu.vector_load %arg5[%get3A_918] {strides = array<i32>} : memref<1096xf32, #tpu.memory_space<vmem>>, vector<16xf32>,
    %get3A_920 = arith.constant 934 : index
    %get3A_921 = tpu.vector_load %arg5[%get3A_920] {strides = array<i32>} : memref<1096xf32, #tpu.memory_space<vmem>>, vector<16xf32>,
    %exp3A_922 = math.exp %get3A_919 : vector<16xf32>
    %exp3A_923 = math.exp %get3A_921 : vector<16xf32>
    %jit3A_924 = arith.constant 0.000000e+00 : f32
    %broadcast_in_dim3A_925 = vector.broadcast %jit3A_924 : f32 to vector<16xf32>
    %select_n3A_926 = arith.select %lt3A_6, %exp3A_923, %broadcast_in_dim3A_925 : vector<16xi1>, vector<16xf32>
    %reduce_sum3A_927 = arith.constant true
    %reduce_sum3A_928 = vector.broadcast %reduce_sum3A_927 : i1 to vector<16xi1>
    %reduce_sum3A_929 = tpu.scan <sum>, %exp3A_922 masked %reduce_sum3A_928 : vector<16xf32>, vector<16xi1> -> vector<16xf32>
    %reduce_sum3A_930 = vector.extract %reduce_sum3A_929[15] : f32 from vector<16xf32>
    %reduce_sum3A_931 = arith.constant true
    %reduce_sum3A_932 = vector.broadcast %reduce_sum3A_931 : i1 to vector<16xi1>
    %reduce_sum3A_933 = tpu.scan <sum>, %select_n3A_926 masked %reduce_sum3A_932 : vector<16xf32>, vector<16xi1> -> vector<16xf32>
    %reduce_sum3A_934 = vector.extract %reduce_sum3A_933[15] : f32 from vector<16xf32>
    %add3A_935 = arith.addf %reduce_sum3A_930, %reduce_sum3A_934 : f32
    %broadcast_in_dim3A_936 = arith.constant 34 : i32
    %broadcast_in_dim3A_937 = vector.broadcast %broadcast_in_dim3A_936 : i32 to vector<16xi32>
    %div3A_938 = vector.broadcast %add3A_935 : f32 to vector<16xf32>
    %div3A_939 = arith.divf %exp3A_922, %div3A_938 : vector<16xf32>
    tpu.vector_store_idx %arg6[%broadcast_in_dim3A_937, %iota3A], %div3A_939 : memref<40x32xf32, #tpu.memory_space<vmem>>[vector<16xi32>, vector<16xi32>], vector<16xf32>,
    %add3A_940 = arith.constant 16 : i32
    %add3A_941 = vector.broadcast %add3A_940 : i32 to vector<16xi32>
    %add3A_942 = arith.addi %iota3A, %add3A_941 : vector<16xi32>
    %div3A_943 = vector.broadcast %add3A_935 : f32 to vector<16xf32>
    %div3A_944 = arith.divf %select_n3A_926, %div3A_943 : vector<16xf32>
    tpu.vector_store_idx %arg6[%broadcast_in_dim3A_937, %add3A_942], %div3A_944 masked %lt3A_6 : memref<40x32xf32, #tpu.memory_space<vmem>>[vector<16xi32>, vector<16xi32>], vector<16xf32>, vector<16xi1>
    %get3A_945 = arith.constant 945 : index
    %get3A_946 = tpu.vector_load %arg5[%get3A_945] {strides = array<i32>} : memref<1096xf32, #tpu.memory_space<vmem>>, vector<16xf32>,
    %get3A_947 = arith.constant 961 : index
    %get3A_948 = tpu.vector_load %arg5[%get3A_947] {strides = array<i32>} : memref<1096xf32, #tpu.memory_space<vmem>>, vector<16xf32>,
    %exp3A_949 = math.exp %get3A_946 : vector<16xf32>
    %exp3A_950 = math.exp %get3A_948 : vector<16xf32>
    %jit3A_951 = arith.constant 0.000000e+00 : f32
    %broadcast_in_dim3A_952 = vector.broadcast %jit3A_951 : f32 to vector<16xf32>
    %select_n3A_953 = arith.select %lt3A_6, %exp3A_950, %broadcast_in_dim3A_952 : vector<16xi1>, vector<16xf32>
    %reduce_sum3A_954 = arith.constant true
    %reduce_sum3A_955 = vector.broadcast %reduce_sum3A_954 : i1 to vector<16xi1>
    %reduce_sum3A_956 = tpu.scan <sum>, %exp3A_949 masked %reduce_sum3A_955 : vector<16xf32>, vector<16xi1> -> vector<16xf32>
    %reduce_sum3A_957 = vector.extract %reduce_sum3A_956[15] : f32 from vector<16xf32>
    %reduce_sum3A_958 = arith.constant true
    %reduce_sum3A_959 = vector.broadcast %reduce_sum3A_958 : i1 to vector<16xi1>
    %reduce_sum3A_960 = tpu.scan <sum>, %select_n3A_953 masked %reduce_sum3A_959 : vector<16xf32>, vector<16xi1> -> vector<16xf32>
    %reduce_sum3A_961 = vector.extract %reduce_sum3A_960[15] : f32 from vector<16xf32>
    %add3A_962 = arith.addf %reduce_sum3A_957, %reduce_sum3A_961 : f32
    %broadcast_in_dim3A_963 = arith.constant 35 : i32
    %broadcast_in_dim3A_964 = vector.broadcast %broadcast_in_dim3A_963 : i32 to vector<16xi32>
    %div3A_965 = vector.broadcast %add3A_962 : f32 to vector<16xf32>
    %div3A_966 = arith.divf %exp3A_949, %div3A_965 : vector<16xf32>
    tpu.vector_store_idx %arg6[%broadcast_in_dim3A_964, %iota3A], %div3A_966 : memref<40x32xf32, #tpu.memory_space<vmem>>[vector<16xi32>, vector<16xi32>], vector<16xf32>,
    %add3A_967 = arith.constant 16 : i32
    %add3A_968 = vector.broadcast %add3A_967 : i32 to vector<16xi32>
    %add3A_969 = arith.addi %iota3A, %add3A_968 : vector<16xi32>
    %div3A_970 = vector.broadcast %add3A_962 : f32 to vector<16xf32>
    %div3A_971 = arith.divf %select_n3A_953, %div3A_970 : vector<16xf32>
    tpu.vector_store_idx %arg6[%broadcast_in_dim3A_964, %add3A_969], %div3A_971 masked %lt3A_6 : memref<40x32xf32, #tpu.memory_space<vmem>>[vector<16xi32>, vector<16xi32>], vector<16xf32>, vector<16xi1>
    %get3A_972 = arith.constant 972 : index
    %get3A_973 = tpu.vector_load %arg5[%get3A_972] {strides = array<i32>} : memref<1096xf32, #tpu.memory_space<vmem>>, vector<16xf32>,
    %get3A_974 = arith.constant 988 : index
    %get3A_975 = tpu.vector_load %arg5[%get3A_974] {strides = array<i32>} : memref<1096xf32, #tpu.memory_space<vmem>>, vector<16xf32>,
    %exp3A_976 = math.exp %get3A_973 : vector<16xf32>
    %exp3A_977 = math.exp %get3A_975 : vector<16xf32>
    %jit3A_978 = arith.constant 0.000000e+00 : f32
    %broadcast_in_dim3A_979 = vector.broadcast %jit3A_978 : f32 to vector<16xf32>
    %select_n3A_980 = arith.select %lt3A_6, %exp3A_977, %broadcast_in_dim3A_979 : vector<16xi1>, vector<16xf32>
    %reduce_sum3A_981 = arith.constant true
    %reduce_sum3A_982 = vector.broadcast %reduce_sum3A_981 : i1 to vector<16xi1>
    %reduce_sum3A_983 = tpu.scan <sum>, %exp3A_976 masked %reduce_sum3A_982 : vector<16xf32>, vector<16xi1> -> vector<16xf32>
    %reduce_sum3A_984 = vector.extract %reduce_sum3A_983[15] : f32 from vector<16xf32>
    %reduce_sum3A_985 = arith.constant true
    %reduce_sum3A_986 = vector.broadcast %reduce_sum3A_985 : i1 to vector<16xi1>
    %reduce_sum3A_987 = tpu.scan <sum>, %select_n3A_980 masked %reduce_sum3A_986 : vector<16xf32>, vector<16xi1> -> vector<16xf32>
    %reduce_sum3A_988 = vector.extract %reduce_sum3A_987[15] : f32 from vector<16xf32>
    %add3A_989 = arith.addf %reduce_sum3A_984, %reduce_sum3A_988 : f32
    %broadcast_in_dim3A_990 = arith.constant 36 : i32
    %broadcast_in_dim3A_991 = vector.broadcast %broadcast_in_dim3A_990 : i32 to vector<16xi32>
    %div3A_992 = vector.broadcast %add3A_989 : f32 to vector<16xf32>
    %div3A_993 = arith.divf %exp3A_976, %div3A_992 : vector<16xf32>
    tpu.vector_store_idx %arg6[%broadcast_in_dim3A_991, %iota3A], %div3A_993 : memref<40x32xf32, #tpu.memory_space<vmem>>[vector<16xi32>, vector<16xi32>], vector<16xf32>,
    %add3A_994 = arith.constant 16 : i32
    %add3A_995 = vector.broadcast %add3A_994 : i32 to vector<16xi32>
    %add3A_996 = arith.addi %iota3A, %add3A_995 : vector<16xi32>
    %div3A_997 = vector.broadcast %add3A_989 : f32 to vector<16xf32>
    %div3A_998 = arith.divf %select_n3A_980, %div3A_997 : vector<16xf32>
    tpu.vector_store_idx %arg6[%broadcast_in_dim3A_991, %add3A_996], %div3A_998 masked %lt3A_6 : memref<40x32xf32, #tpu.memory_space<vmem>>[vector<16xi32>, vector<16xi32>], vector<16xf32>, vector<16xi1>
    %get3A_999 = arith.constant 999 : index
    %get3A_1000 = tpu.vector_load %arg5[%get3A_999] {strides = array<i32>} : memref<1096xf32, #tpu.memory_space<vmem>>, vector<16xf32>,
    %get3A_1001 = arith.constant 1015 : index
    %get3A_1002 = tpu.vector_load %arg5[%get3A_1001] {strides = array<i32>} : memref<1096xf32, #tpu.memory_space<vmem>>, vector<16xf32>,
    %exp3A_1003 = math.exp %get3A_1000 : vector<16xf32>
    %exp3A_1004 = math.exp %get3A_1002 : vector<16xf32>
    %jit3A_1005 = arith.constant 0.000000e+00 : f32
    %broadcast_in_dim3A_1006 = vector.broadcast %jit3A_1005 : f32 to vector<16xf32>
    %select_n3A_1007 = arith.select %lt3A_6, %exp3A_1004, %broadcast_in_dim3A_1006 : vector<16xi1>, vector<16xf32>
    %reduce_sum3A_1008 = arith.constant true
    %reduce_sum3A_1009 = vector.broadcast %reduce_sum3A_1008 : i1 to vector<16xi1>
    %reduce_sum3A_1010 = tpu.scan <sum>, %exp3A_1003 masked %reduce_sum3A_1009 : vector<16xf32>, vector<16xi1> -> vector<16xf32>
    %reduce_sum3A_1011 = vector.extract %reduce_sum3A_1010[15] : f32 from vector<16xf32>
    %reduce_sum3A_1012 = arith.constant true
    %reduce_sum3A_1013 = vector.broadcast %reduce_sum3A_1012 : i1 to vector<16xi1>
    %reduce_sum3A_1014 = tpu.scan <sum>, %select_n3A_1007 masked %reduce_sum3A_1013 : vector<16xf32>, vector<16xi1> -> vector<16xf32>
    %reduce_sum3A_1015 = vector.extract %reduce_sum3A_1014[15] : f32 from vector<16xf32>
    %add3A_1016 = arith.addf %reduce_sum3A_1011, %reduce_sum3A_1015 : f32
    %broadcast_in_dim3A_1017 = arith.constant 37 : i32
    %broadcast_in_dim3A_1018 = vector.broadcast %broadcast_in_dim3A_1017 : i32 to vector<16xi32>
    %div3A_1019 = vector.broadcast %add3A_1016 : f32 to vector<16xf32>
    %div3A_1020 = arith.divf %exp3A_1003, %div3A_1019 : vector<16xf32>
    tpu.vector_store_idx %arg6[%broadcast_in_dim3A_1018, %iota3A], %div3A_1020 : memref<40x32xf32, #tpu.memory_space<vmem>>[vector<16xi32>, vector<16xi32>], vector<16xf32>,
    %add3A_1021 = arith.constant 16 : i32
    %add3A_1022 = vector.broadcast %add3A_1021 : i32 to vector<16xi32>
    %add3A_1023 = arith.addi %iota3A, %add3A_1022 : vector<16xi32>
    %div3A_1024 = vector.broadcast %add3A_1016 : f32 to vector<16xf32>
    %div3A_1025 = arith.divf %select_n3A_1007, %div3A_1024 : vector<16xf32>
    tpu.vector_store_idx %arg6[%broadcast_in_dim3A_1018, %add3A_1023], %div3A_1025 masked %lt3A_6 : memref<40x32xf32, #tpu.memory_space<vmem>>[vector<16xi32>, vector<16xi32>], vector<16xf32>, vector<16xi1>
    %get3A_1026 = arith.constant 1026 : index
    %get3A_1027 = tpu.vector_load %arg5[%get3A_1026] {strides = array<i32>} : memref<1096xf32, #tpu.memory_space<vmem>>, vector<16xf32>,
    %get3A_1028 = arith.constant 1042 : index
    %get3A_1029 = tpu.vector_load %arg5[%get3A_1028] {strides = array<i32>} : memref<1096xf32, #tpu.memory_space<vmem>>, vector<16xf32>,
    %exp3A_1030 = math.exp %get3A_1027 : vector<16xf32>
    %exp3A_1031 = math.exp %get3A_1029 : vector<16xf32>
    %jit3A_1032 = arith.constant 0.000000e+00 : f32
    %broadcast_in_dim3A_1033 = vector.broadcast %jit3A_1032 : f32 to vector<16xf32>
    %select_n3A_1034 = arith.select %lt3A_6, %exp3A_1031, %broadcast_in_dim3A_1033 : vector<16xi1>, vector<16xf32>
    %reduce_sum3A_1035 = arith.constant true
    %reduce_sum3A_1036 = vector.broadcast %reduce_sum3A_1035 : i1 to vector<16xi1>
    %reduce_sum3A_1037 = tpu.scan <sum>, %exp3A_1030 masked %reduce_sum3A_1036 : vector<16xf32>, vector<16xi1> -> vector<16xf32>
    %reduce_sum3A_1038 = vector.extract %reduce_sum3A_1037[15] : f32 from vector<16xf32>
    %reduce_sum3A_1039 = arith.constant true
    %reduce_sum3A_1040 = vector.broadcast %reduce_sum3A_1039 : i1 to vector<16xi1>
    %reduce_sum3A_1041 = tpu.scan <sum>, %select_n3A_1034 masked %reduce_sum3A_1040 : vector<16xf32>, vector<16xi1> -> vector<16xf32>
    %reduce_sum3A_1042 = vector.extract %reduce_sum3A_1041[15] : f32 from vector<16xf32>
    %add3A_1043 = arith.addf %reduce_sum3A_1038, %reduce_sum3A_1042 : f32
    %broadcast_in_dim3A_1044 = arith.constant 38 : i32
    %broadcast_in_dim3A_1045 = vector.broadcast %broadcast_in_dim3A_1044 : i32 to vector<16xi32>
    %div3A_1046 = vector.broadcast %add3A_1043 : f32 to vector<16xf32>
    %div3A_1047 = arith.divf %exp3A_1030, %div3A_1046 : vector<16xf32>
    tpu.vector_store_idx %arg6[%broadcast_in_dim3A_1045, %iota3A], %div3A_1047 : memref<40x32xf32, #tpu.memory_space<vmem>>[vector<16xi32>, vector<16xi32>], vector<16xf32>,
    %add3A_1048 = arith.constant 16 : i32
    %add3A_1049 = vector.broadcast %add3A_1048 : i32 to vector<16xi32>
    %add3A_1050 = arith.addi %iota3A, %add3A_1049 : vector<16xi32>
    %div3A_1051 = vector.broadcast %add3A_1043 : f32 to vector<16xf32>
    %div3A_1052 = arith.divf %select_n3A_1034, %div3A_1051 : vector<16xf32>
    tpu.vector_store_idx %arg6[%broadcast_in_dim3A_1045, %add3A_1050], %div3A_1052 masked %lt3A_6 : memref<40x32xf32, #tpu.memory_space<vmem>>[vector<16xi32>, vector<16xi32>], vector<16xf32>, vector<16xi1>
    %get3A_1053 = arith.constant 1053 : index
    %get3A_1054 = tpu.vector_load %arg5[%get3A_1053] {strides = array<i32>} : memref<1096xf32, #tpu.memory_space<vmem>>, vector<16xf32>,
    %get3A_1055 = arith.constant 1069 : index
    %get3A_1056 = tpu.vector_load %arg5[%get3A_1055] {strides = array<i32>} : memref<1096xf32, #tpu.memory_space<vmem>>, vector<16xf32>,
    %exp3A_1057 = math.exp %get3A_1054 : vector<16xf32>
    %exp3A_1058 = math.exp %get3A_1056 : vector<16xf32>
    %jit3A_1059 = arith.constant 0.000000e+00 : f32
    %broadcast_in_dim3A_1060 = vector.broadcast %jit3A_1059 : f32 to vector<16xf32>
    %select_n3A_1061 = arith.select %lt3A_6, %exp3A_1058, %broadcast_in_dim3A_1060 : vector<16xi1>, vector<16xf32>
    %reduce_sum3A_1062 = arith.constant true
    %reduce_sum3A_1063 = vector.broadcast %reduce_sum3A_1062 : i1 to vector<16xi1>
    %reduce_sum3A_1064 = tpu.scan <sum>, %exp3A_1057 masked %reduce_sum3A_1063 : vector<16xf32>, vector<16xi1> -> vector<16xf32>
    %reduce_sum3A_1065 = vector.extract %reduce_sum3A_1064[15] : f32 from vector<16xf32>
    %reduce_sum3A_1066 = arith.constant true
    %reduce_sum3A_1067 = vector.broadcast %reduce_sum3A_1066 : i1 to vector<16xi1>
    %reduce_sum3A_1068 = tpu.scan <sum>, %select_n3A_1061 masked %reduce_sum3A_1067 : vector<16xf32>, vector<16xi1> -> vector<16xf32>
    %reduce_sum3A_1069 = vector.extract %reduce_sum3A_1068[15] : f32 from vector<16xf32>
    %add3A_1070 = arith.addf %reduce_sum3A_1065, %reduce_sum3A_1069 : f32
    %broadcast_in_dim3A_1071 = arith.constant 39 : i32
    %broadcast_in_dim3A_1072 = vector.broadcast %broadcast_in_dim3A_1071 : i32 to vector<16xi32>
    %div3A_1073 = vector.broadcast %add3A_1070 : f32 to vector<16xf32>
    %div3A_1074 = arith.divf %exp3A_1057, %div3A_1073 : vector<16xf32>
    tpu.vector_store_idx %arg6[%broadcast_in_dim3A_1072, %iota3A], %div3A_1074 : memref<40x32xf32, #tpu.memory_space<vmem>>[vector<16xi32>, vector<16xi32>], vector<16xf32>,
    %add3A_1075 = arith.constant 16 : i32
    %add3A_1076 = vector.broadcast %add3A_1075 : i32 to vector<16xi32>
    %add3A_1077 = arith.addi %iota3A, %add3A_1076 : vector<16xi32>
    %div3A_1078 = vector.broadcast %add3A_1070 : f32 to vector<16xf32>
    %div3A_1079 = arith.divf %select_n3A_1061, %div3A_1078 : vector<16xf32>
    tpu.vector_store_idx %arg6[%broadcast_in_dim3A_1072, %add3A_1077], %div3A_1079 masked %lt3A_6 : memref<40x32xf32, #tpu.memory_space<vmem>>[vector<16xi32>, vector<16xi32>], vector<16xf32>, vector<16xi1>
    %mul3A_1080 = arith.constant 40 : i32
    %mul3A_1081 = arith.muli %arg1, %mul3A_1080 : i32
    "tpu.region"() ({
      %run_scoped3A = tpu.sem_alloc : memref<!tpu.dma_semaphore, #tpu.memory_space<semaphore_mem>>
      %dma_start3A_1088 = arith.constant 0 : i32
      %dma_start3A_1089 = tpu.memref_slice %arg7[%mul3A_1081, %dma_start3A_1088] : memref<640x32xf32, #tpu.memory_space<vmem_shared>> -> memref<40x32xf32, #tpu.memory_space<vmem_shared>>
      %dma_start3A_1090 = arith.constant 0 : i32
      %dma_start3A_1091 = tpu.memref_slice %arg7[%mul3A_1081, %dma_start3A_1090] : memref<640x32xf32, #tpu.memory_space<vmem_shared>> -> memref<40x32xf32, #tpu.memory_space<vmem_shared>>
      tpu.enqueue_dma source(%arg6 : memref<40x32xf32, #tpu.memory_space<vmem>>) target(%dma_start3A_1091 : memref<40x32xf32, #tpu.memory_space<vmem_shared>>) target_semaphore(%run_scoped3A : memref<!tpu.dma_semaphore, #tpu.memory_space<semaphore_mem>>)
      %dma_wait3A_1092 = arith.constant 0 : i32
      %dma_wait3A_1093 = tpu.memref_slice %arg7[%mul3A_1081, %dma_wait3A_1092] : memref<640x32xf32, #tpu.memory_space<vmem_shared>> -> memref<40x32xf32, #tpu.memory_space<vmem_shared>>
      %dma_wait3A_1094 = arith.constant 0 : i32
      %dma_wait3A_1095 = tpu.memref_slice %arg7[%mul3A_1081, %dma_wait3A_1094] : memref<640x32xf32, #tpu.memory_space<vmem_shared>> -> memref<40x32xf32, #tpu.memory_space<vmem_shared>>
      tpu.wait_dma2 semaphore(%run_scoped3A : memref<!tpu.dma_semaphore, #tpu.memory_space<semaphore_mem>>) src(%arg6 : memref<40x32xf32, #tpu.memory_space<vmem>>) dst(%dma_wait3A_1095 : memref<40x32xf32, #tpu.memory_space<vmem_shared>>)
      tpu.yield
    }) : () -> ()
    %barrier3A = arith.constant 0 : index
    tpu.barrier barrier_id(%barrier3A)
    %dma_start3A = arith.constant 0 : i32
    %dma_start3A_1082 = arith.constant 0 : i32
    %dma_start3A_1083 = tpu.memref_slice %arg7[%dma_start3A, %dma_start3A_1082] : memref<640x32xf32, #tpu.memory_space<vmem_shared>> -> memref<640x32xf32, #tpu.memory_space<vmem_shared>>
    tpu.enqueue_indirect_dma source(%dma_start3A_1083 : memref<640x32xf32, #tpu.memory_space<vmem_shared>>) target(%arg9 : memref<512x32xf32, #tpu.memory_space<vmem>>) offsets(%arg8 : memref<512xi32, #tpu.memory_space<vmem>>) semaphore(%arg10 : memref<!tpu.dma_semaphore, #tpu.memory_space<semaphore_mem>>)
    %dma_wait3A = arith.constant 0 : i32
    %dma_wait3A_1084 = arith.constant 0 : i32
    %dma_wait3A_1085 = tpu.memref_slice %arg7[%dma_wait3A, %dma_wait3A_1084] : memref<640x32xf32, #tpu.memory_space<vmem_shared>> -> memref<640x32xf32, #tpu.memory_space<vmem_shared>>
    tpu.wait_indirect_dma semaphore(%arg10 : memref<!tpu.dma_semaphore, #tpu.memory_space<semaphore_mem>>) src(%dma_wait3A_1085 : memref<640x32xf32, #tpu.memory_space<vmem_shared>>) dst(%arg9 : memref<512x32xf32, #tpu.memory_space<vmem>>)
    %mul3A_1086 = arith.constant 512 : i32
    %mul3A_1087 = arith.muli %add3A, %mul3A_1086 : i32
    "tpu.region"() ({
      %run_scoped3A = tpu.sem_alloc : memref<!tpu.dma_semaphore, #tpu.memory_space<semaphore_mem>>
      %dma_start3A_1088 = arith.constant 0 : i32
      %dma_start3A_1089 = tpu.memref_slice %arg4[%mul3A_1087, %dma_start3A_1088] : memref<16384x32xf32, #tpu.memory_space<hbm>> -> memref<512x32xf32, #tpu.memory_space<hbm>>
      %dma_start3A_1090 = arith.constant 0 : i32
      %dma_start3A_1091 = tpu.memref_slice %arg4[%mul3A_1087, %dma_start3A_1090] : memref<16384x32xf32, #tpu.memory_space<hbm>> -> memref<512x32xf32, #tpu.memory_space<hbm>>
      tpu.enqueue_dma source(%arg9 : memref<512x32xf32, #tpu.memory_space<vmem>>) target(%dma_start3A_1091 : memref<512x32xf32, #tpu.memory_space<hbm>>) target_semaphore(%run_scoped3A : memref<!tpu.dma_semaphore, #tpu.memory_space<semaphore_mem>>)
      %dma_wait3A_1092 = arith.constant 0 : i32
      %dma_wait3A_1093 = tpu.memref_slice %arg4[%mul3A_1087, %dma_wait3A_1092] : memref<16384x32xf32, #tpu.memory_space<hbm>> -> memref<512x32xf32, #tpu.memory_space<hbm>>
      %dma_wait3A_1094 = arith.constant 0 : i32
      %dma_wait3A_1095 = tpu.memref_slice %arg4[%mul3A_1087, %dma_wait3A_1094] : memref<16384x32xf32, #tpu.memory_space<hbm>> -> memref<512x32xf32, #tpu.memory_space<hbm>>
      tpu.wait_dma2 semaphore(%run_scoped3A : memref<!tpu.dma_semaphore, #tpu.memory_space<semaphore_mem>>) src(%arg9 : memref<512x32xf32, #tpu.memory_space<vmem>>) dst(%dma_wait3A_1095 : memref<512x32xf32, #tpu.memory_space<hbm>>)
      tpu.yield
    }) : () -> ()
    return
  }
}

</mosaic_0001>

<sc_bundles>
// kernel: kernel.3.cloned.1.call-start
scs
__scs_entry_jumppad:
0x0: {  	(pc) =	sbr.rel $0x88, $3  }
0x1: {  	(tag) =	ssettag $0x0;
	lr =	simm.s32 $0x1  }
0x2: {  	[smem:$0x3F9F] =	sst lr;
	_ =	strace $0xD0000000  }
0x3: {  	_ = 	snop  }
0x4: {  	_ = 	snop  }
0x5: {  	_ = 	snop  }
0x6: {  	_ = 	snop  }
0x7: {  	_ = 	snop  }
__scs_overlays_trampoline_lowered:
0x8: {  	[smem:$0x3FAE] =	sst s0  }
0x9: {  	[smem:$0x3FAF] =	sst s1  }
0xa: {  	[smem:$0x3FB0] =	sst s2  }
0xb: {  	[smem:$0x3FB1] =	sst s3  }
0xc: {  	[smem:$0x3FB2] =	sst s4  }
0xd: {  	[smem:$0x3FB3] =	sst s5  }
0xe: {  	[smem:$0x3FB4] =	sst s6  }
0xf: {  	[smem:$0x3FB5] =	sst s7  }
0x10: {  	[smem:$0x3FB6] =	sst s8  }
0x11: {  	[smem:$0x3FB7] =	sst s9;
	s0 =	simm.s32 @!p0 $0x0  }
0x12: {  	s1 =	sld [smem:$0x3F9D];
	s0 =	simm.s32 @p0 $0x1  }
0x13: {  	[smem:$0x3FB8] =	sst s0;
	s0 =	simm.s32 @!p1 $0x0  }
0x14: {  	s2 =	sld [smem:$0x3F9C];
	s0 =	simm.s32 @p1 $0x1  }
0x15: {  	[smem:$0x3FB9] =	sst s0;
	s0 =	simm.s32 @!p2 $0x0  }
0x16: {  	s3 =	sld [smem:$0x3FDB];
	s0 =	simm.s32 @p2 $0x1  }
0x17: {  	s4 =	simm.s32 $0x1BF5;
	[smem:$0x3FBB] =	sst s0  }
0x18: {  	s0 =	sld [smem:$0x3F9E];
	_ =	swait.ge [sflag:s4], $0x0  }
0x19: {  	s7 =	sld [smem:$0x3F9F]  }
0x1a: {  	s8 =	sadd.s32 $0xFFFFE003, lr  }
0x1b: {  	s9 =	sadd.s32 $0xFFFFFEF7, lr;
	s5 =	simm.s32 $0xFFFFFFFF;
	p2 =	slt.u32 s8, $0xFFFFF086  }
0x1c: {  	p1 =	slt.u32 s9, $0xF7A;
	s5 =	simm.s32 @!p2 $0x0  }
0x1d: {  	s5 =	simm.s32 @p1 $0x1;
	p0 =	seq.s32 s7, s2  }
0x1e: {  	s7 =	smul.u32 @!p0 $0xF7A, s2;
	p2 =	seq.s32 @!p0 s5, $0x0  }
0x1f: {  	s9 =	smul.u32 $0xF7A, s1;
	s8 =	simm.s32 @!p0 $0x1BF5;
	p2 =	por !p2, p0  }
0x20: {  	[sflag:s8] =	ssyncset.s32 @!p0 $0xFFFFF086;
	s6 =	sadd.s32 @!p0 s3, s7;
	s7 =	simm.s32 @!p0 $0x108  }
0x21: {  	s3 =	sadd.s32 s3, s9;
	s6 =	sadd.s32 @!p0 $0x88, s6;
	s7 =	simm.s32 @p2 $0x1082  }
0x22: {  	[simem:s7], [sflag:s8] =	dma.local @!p0 [hbm:s6], $0xF7A  }
0x23: {  	s9 =	sor.u32 $0xD0000000, s2;
	s6 =	simm.s32 $0x108;
	_ =	swait.ge @!p0 [sflag:s8], $0x0  }
0x24: {  	s3 =	sadd.s32 $0x88, s3;
	s6 =	simm.s32 @!p1 $0x1082;
	[sflag:s4] =	ssyncset.s32 $0xFFFFF086  }
0x25: {  	[simem:s6], [sflag:s4] =	dma.local [hbm:s3], $0xF7A  }
0x26: {  	[smem:$0x3F9F] =	sst s1;
	(tag) =	ssettag s2;
	_ =	strace s9  }
0x27: {  	s1 =	sld [smem:$0x3FAF]  }
0x28: {  	s2 =	sld [smem:$0x3FB0]  }
0x29: {  	s4 =	sld [smem:$0x3FB2]  }
0x2a: {  	p0 =	seq.s32 s5, $0x0;
	s5 =	sld [smem:$0x3FB3]  }
0x2b: {  	s6 =	sld [smem:$0x3FB4]  }
0x2c: {  	s7 =	sld [smem:$0x3FB5]  }
0x2d: {  	s3 =	simm.s32 $0x108;
	s8 =	sld [smem:$0x3FB6]  }
0x2e: {  	s3 =	simm.s32 @!p0 $0x1082;
	s9 =	sld [smem:$0x3FB7]  }
0x2f: {  	lr =	sadd.s32 s0, s3;
	s0 =	sld [smem:$0x3FAE]  }
0x30: {  	s3 =	sld [smem:$0x3FB1]  }
0x31: {  	[smem:$0x3FBA] =	sst s10  }
0x32: {  	s10 =	sld [smem:$0x3FB8];
	_ =	sdelay $0x3  }
0x33: {  	p0 =	seq.s32 s10, $0x1;
	s10 =	sld [smem:$0x3FBA];
	_ =	sdelay $0x3  }
0x34: {  	[smem:$0x3FBA] =	sst s10  }
0x35: {  	s10 =	sld [smem:$0x3FB9];
	_ =	sdelay $0x3  }
0x36: {  	p1 =	seq.s32 s10, $0x1;
	s10 =	sld [smem:$0x3FBA];
	_ =	sdelay $0x3  }
0x37: {  	[smem:$0x3FBA] =	sst s10  }
0x38: {  	s10 =	sld [smem:$0x3FBB]  }
0x39: {  	_ = 	snop;
	(pc) =	sbr.ind lr, $3  }
0x3a: {  	_ = 	snop  }
0x3b: {  	_ = 	snop  }
0x3c: {  	p2 =	seq.s32 s10, $0x1;
	s10 =	sld [smem:$0x3FBA]  }
0x3d: {  	_ =	shalt  }
0x3e: {  	_ =	shalt  }
0x3f: {  	_ =	shalt  }
0x40: {  	_ =	shalt  }
0x41: {  	_ =	shalt  }
0x42: {  	_ =	shalt  }
0x43: {  	_ =	shalt  }
0x44: {  	_ =	shalt  }
0x45: {  	_ =	shalt  }
0x46: {  	_ =	shalt  }
0x47: {  	_ =	shalt  }
0x48: {  	_ =	shalt  }
0x49: {  	_ =	shalt  }
0x4a: {  	_ =	shalt  }
0x4b: {  	_ =	shalt  }
0x4c: {  	_ =	shalt  }
0x4d: {  	_ =	shalt  }
0x4e: {  	_ =	shalt  }
0x4f: {  	_ =	shalt  }
0x50: {  	_ =	shalt  }
0x51: {  	_ =	shalt  }
0x52: {  	_ =	shalt  }
0x53: {  	_ =	shalt  }
0x54: {  	_ =	shalt  }
0x55: {  	_ =	shalt  }
0x56: {  	_ =	shalt  }
0x57: {  	_ =	shalt  }
0x58: {  	_ =	shalt  }
0x59: {  	_ =	shalt  }
0x5a: {  	_ =	shalt  }
0x5b: {  	_ =	shalt  }
0x5c: {  	_ =	shalt  }
0x5d: {  	_ =	shalt  }
0x5e: {  	_ =	shalt  }
0x5f: {  	_ =	shalt  }
0x60: {  	_ =	shalt  }
0x61: {  	_ =	shalt  }
0x62: {  	_ =	shalt  }
0x63: {  	_ =	shalt  }
0x64: {  	_ =	shalt  }
0x65: {  	_ =	shalt  }
0x66: {  	_ =	shalt  }
0x67: {  	_ =	shalt  }
0x68: {  	_ =	shalt  }
0x69: {  	_ =	shalt  }
0x6a: {  	_ =	shalt  }
0x6b: {  	_ =	shalt  }
0x6c: {  	_ =	shalt  }
0x6d: {  	_ =	shalt  }
0x6e: {  	_ =	shalt  }
0x6f: {  	_ =	shalt  }
0x70: {  	_ =	shalt  }
0x71: {  	_ =	shalt  }
0x72: {  	_ =	shalt  }
0x73: {  	_ =	shalt  }
0x74: {  	_ =	shalt  }
0x75: {  	_ =	shalt  }
0x76: {  	_ =	shalt  }
0x77: {  	_ =	shalt  }
0x78: {  	_ =	shalt  }
0x79: {  	_ =	shalt  }
0x7a: {  	_ =	shalt  }
0x7b: {  	_ =	shalt  }
0x7c: {  	_ =	shalt  }
0x7d: {  	_ =	shalt  }
0x7e: {  	_ =	shalt  }
0x7f: {  	_ =	shalt  }
0x80: {  	_ =	shalt  }
0x81: {  	_ =	shalt  }
0x82: {  	_ =	shalt  }
0x83: {  	_ =	shalt  }
0x84: {  	_ =	shalt  }
0x85: {  	_ =	shalt  }
0x86: {  	_ =	shalt  }
0x87: {  	_ =	shalt  }
.Lfunc_end0:
.L_simem_size_0:
called_computation_lowered:
.L_overlay_start_0:
0x88: {  	s2 =	sld [smem:$0x3FD9]  }
0x89: {  	s3 =	sld [smem:$0x3FFE];
	_ =	sdelay $0x1  }
0x8a: {  	s1 =	srdreg.scid  }
0x8b: {  	s0 =	sand.u32 $0x1, s1  }
0x8c: {  	s17 =	sshll.u32 s0, $0xA;
	s2 =	sadd.s32 s3, s2  }
0x8d: {  	s2 =	sadd.s32 s2, s17  }
0x8e: {  	[smem:$0x3FC6] =	sst s2  }
0x8f: {  	_ = 	snop  }
0x90: {  	s2 =	sld [smem:$0x3FC9]  }
0x91: {  	s18 =	sld [smem:$0x3FD0];
	(tm) =	ssettm $0x1  }
0x92: {  	s4 =	sld [smem:$0x3FFB];
	_ =	sdelay $0x3  }
0x93: {  	_ =	strace s4  }
0x94: {  	s4 =	sld [smem:$0x3FFC];
	_ =	sdelay $0x3  }
0x95: {  	_ =	strace s4  }
0x96: {  	s4 =	sld [smem:$0x3FFD];
	_ =	sdelay $0x3  }
0x97: {  	_ =	strace s4  }
0x98: {  	_ =	strace $0x8FFFFFFF  }
0x99: {  	s19 =	sld [smem:$0x3FDB];
	_ =	sdelay $0x1  }
0x9a: {  	s5 =	simm.s32 $_scs_section_size  }
0x9b: {  	s6 =	simm.s32 $_size__tile_overlayer_lowered;
	s7 =	simm.s32 $_tile_overlayer_lowered  }
0x9c: {  	s22 =	simm.s32 $0x1BFF;
	s21 =	sshll.u32 s7, $0x1;
	s4 =	sadd.s32 s5, s19  }
0x9d: {  	s8 =	simm.s32 $0x0;
	s20 =	sshll.u32 s6, $0x1;
	s6 =	sadd.s32 s21, s4  }
0x9e: {  	[timem:s8], [sflag:s22] =	dma.local [hbm:s6], s20  }
0x9f: {  	_ =	swait.ge [sflag:s22], s20  }
0xa0: {  	s5 =	ssub.s32 $0x0, s20;
	[sflag:s22] =	ssyncset.done $0x0  }
0xa1: {  	[sflag:s22] =	ssyncadd.s32 s5;
	_ =	sdelay $0x1  }
0xa2: {  	s23 =	simm.s32 $0x1B8B  }
0xa3: {  	_ =	swait.ge [sflag:s23], $0x1  }
0xa4: {  	[sflag:s23] =	ssyncset.done $0x0  }
0xa5: {  	s25 =	simm.s32 $0x1B8E;
	s24 =	sld [smem:$0x3FFE];
	[sflag:s23] =	ssyncadd.s32 $0xFFFFFFFF  }
0xa6: {  	s26 =	simm.s32 $execute0_lowered;
	[smem:$0x3FD2] =	sst s25  }
0xa7: {  	s6 =	sshll.u32 s26, $0x1;
	_ =	strace $0x80000046;
	[dreg:$0x1] =	wrdreg $0xFFFFFFFF  }
0xa8: {  	s28 =	simm.s32 $_size_execute0_lowered;
	s4 =	sadd.s32 s4, s6;
	[dreg:$0x0] =	wrdreg $0x0  }
0xa9: {  	s6 =	sshll.u32 s28, $0x1;
	[dreg:$0x2] =	wrdreg s4  }
0xaa: {  	[dreg:$0x3] =	wrdreg s6  }
0xab: {  	[dreg:$0x4] =	wrdreg $0xC0  }
0xac: {  	_ =	task [dreg:s8], $0x5FFFF  }
0xad: {  	[dreg:$0x1] =	wrdreg $0xFFFFFFFF  }
0xae: {  	[dreg:$0x0] =	wrdreg $0x60  }
0xaf: {  	[dreg:$0x2] =	wrdreg s24  }
0xb0: {  	[dreg:$0x3] =	wrdreg s2  }
0xb1: {  	[dreg:$0x4] =	wrdreg s18  }
0xb2: {  	[dreg:$0x5] =	wrdreg $0x9480  }
0xb3: {  	[dreg:$0x6] =	wrdreg $0x9  }
0xb4: {  	_ =	task.clear_ibuf [dreg:s8], $0x7FFFF;
	_ =	strace $0x90000046  }
0xb5: {  	s29 =	simm.s32 $0x9;
	_ =	strace $0x80000048  }
0xb6: {  	_ =	swait.ge [sflag:s29], $0x1  }
0xb7: {  	[sflag:s29] =	ssyncadd.s32 $0xFFFFFFFF  }
0xb8: {  	_ =	strace $0x90000048  }
0xb9: {  	_ =	sfence  }
0xba: {  	s30 =	sld [smem:$0x0];
	_ =	sdelay $0x2  }
0xbb: {  	s31 =	sshll.u32 s1, $0xD;
	s1 =	sshrl.u32 s1, $0x2  }
0xbc: {  	s3 =	sand.u32 $0x4000, s31;
	s1 =	sadd.s32 s1, s30  }
0xbd: {  	s0 =	sor.u32 s3, s0;
	s1 =	sshll.u32 s1, $0x11  }
0xbe: {  	s0 =	sor.u32 s1, s0  }
0xbf: {  	s0 =	sadd.s32 $0x8F2B, s0  }
0xc0: {  	[sflag:s0] =	ssyncadd.remote.s32 $0x1  }
0xc1: {  	_ =	sfence.sel $0xFFFF  }
0xc2: {  	[dreg:$0x0] =	wrdreg $0xFFFFFFFF;
	(pc) =	sbr.abs _section_cstart, $3  }
0xc3: {  	[dreg:$0x1] =	wrdreg $0xFFFFFFFF  }
0xc4: {  	_ =	task.clear_ibuf [dreg:s8], $0x2FFFF;
	_ =	strace $0x9FFFFFFF  }
0xc5: {  	(tm) =	ssettm $0x7FFFFFFF  }
tec
execute0_lowered:
.L_overlay_start_1:
0x0: {  	(tag) =	ssettag $0x1  }
0x1: {  	vm0 =	vmmov $0x7ff;
	v0 =	vlaneseq.u32  }
0x2: {  	v1 =	vor.u32 $0x10, v0;
	v6 =	vor.u32 $0x60, v0;
	v7 =	vor.u32 $0x70, v0  }
0x3: {  	v8 =	vor.u32 $0x80, v0;
	v9 =	vor.u32 $0x90, v0;
	v10 =	vor.u32 $0xA0, v0  }
0x4: {  	v11 =	vor.u32 $0xB0, v0;
	v12 =	vor.u32 $0xC0, v0;
	v13 =	vor.u32 $0xD0, v0  }
0x5: {  	v14 =	vor.u32 $0xE0, v0;
	v15 =	vor.u32 $0xF0, v0;
	v16 =	vor.u32 $0x100, v0  }
0x6: {  	v17 =	vor.u32 $0x110, v0;
	v18 =	vor.u32 $0x120, v0;
	v19 =	vor.u32 $0x130, v0  }
0x7: {  	v20 =	vor.u32 $0x140, v0;
	v21 =	vor.u32 $0x150, v0;
	v22 =	vor.u32 $0x160, v0  }
0x8: {  	s4 =	rddreg [dreg:$0x0];
	v23 =	vor.u32 $0x170, v0;
	v24 =	vor.u32 $0x180, v0;
	v25 =	vor.u32 $0x190, v0  }
0x9: {  	s5 =	rddreg [dreg:$0x1];
	v26 =	vor.u32 $0x1A0, v0;
	v27 =	vor.u32 $0x1B0, v0;
	v28 =	vor.u32 $0x1C0, v0  }
0xa: {  	s6 =	rddreg [dreg:$0x2];
	v29 =	vor.u32 $0x1D0, v0;
	v30 =	vor.u32 $0x1E0, v0;
	v31 =	vor.u32 $0x1F0, v0  }
0xb: {  	s1 =	rddreg [dreg:$0x3];
	s2 =	simm.s32 $0x0;
	s3 =	stileid.u32;
	v32 =	vor.u32 $0x200, v0;
	v33 =	vor.u32 $0x210, v0;
	v34 =	vor.u32 $0x220, v0  }
0xc: {  	s8 =	srdreg.scid;
	s31 =	simm.s32 $0x200;
	[smem:$0x7FF] =	sst s2;
	v35 =	vor.u32 $0x230, v0;
	v36 =	vor.u32 $0x240, v0;
	v37 =	vor.u32 $0x250, v0  }
0xd: {  	s7 =	smul.u32 $0x87, s3;
	s8 =	sand.u32 $0x1, s8;
	s24 =	sshll.u32 s3, $0xA;
	v38 =	vor.u32 $0x260, v0;
	v39 =	vor.u32 $0x270, v0;
	[tilespmem:$0x1FFB0] =	vst v1;
	v1 =	vor.u32 $0x20, v0  }
0xe: {  	s0 =	rddreg [dreg:$0x4];
	s25 =	smul.u32 $0x1400, s3;
	v40 =	vor.u32 $0x280, v0;
	v41 =	vor.u32 $0x290, v0;
	s9 =	sshll.u32 s8, $0x9;
	[tilespmem:$0x1FFC0] =	vst v1;
	v1 =	vor.u32 $0x30, v0  }
0xf: {  	v42 =	vor.u32 $0x2A0, v0;
	v43 =	vor.u32 $0x2B0, v0;
	s8 =	ssub.s32 $0x2, s8;
	s4 =	sadd.s32 s7, s4;
	s7 =	sor.u32 s9, s24;
	[tilespmem:$0x1FFD0] =	vst v1;
	v1 =	vor.u32 $0x40, v0  }
0x10: {  	v44 =	vor.u32 $0x2C0, v0;
	v45 =	vor.u32 $0x2D0, v0;
	s28 =	sshrl.u32 s8, $0x1;
	s9 =	sshrl.u32 s25, $0x2;
	s4 =	sadd.s32 $0x400, s4;
	[tilespmem:$0x1FFE0] =	vst v1;
	v1 =	vor.u32 $0x50, v0  }
0x11: {  	v46 =	vor.u32 $0x2E0, v0;
	v47 =	vor.u32 $0x2F0, v0;
	v48 =	vor.u32 $0x300, v0;
	s26 =	sshrl.u32 s7, $0x3;
	s29 =	sadd.s32 s9, s1;
	s7 =	sshll.u32 s7, $0x2;
	[tilespmem:$0x1FFF0] =	vst v1  }
0x12: {  	v49 =	vor.u32 $0x310, v0;
	v50 =	vor.u32 $0x320, v0;
	v51 =	vor.u32 $0x330, v0;
	s9 =	simm.s32 $0x1;
	_ =	strace $0x80000047;
	[dreg:$0x5] =	wrdreg s4  }
0x13: {  	v52 =	vor.u32 $0x340, v0;
	v53 =	vor.u32 $0x350, v0;
	v54 =	vor.u32 $0x360, v0;
	s30 =	sadd.s32 s6, s7;
	s6 =	simm.s32 $0xE48;
	[dreg:$0x7] =	wrdreg s29  }
0x14: {  	v55 =	vor.u32 $0x370, v0;
	v56 =	vor.u32 $0x380, v0;
	v57 =	vor.u32 $0x390, v0;
	s7 =	simm.s32 $0x448;
	s4 =	sadd.s32 s5, s26;
	[dreg:$0x9] =	wrdreg s30  }
0x15: {  	v58 =	vor.u32 $0x3A0, v0;
	v59 =	vor.u32 $0x3B0, v0;
	v60 =	vor.u32 $0x3C0, v0;
	s5 =	ssub.s32 s8, s28;
	[dreg:$0x8] =	wrdreg s31;
	s8 =	simm.s32 $0x1048  }
0x16: {  	v61 =	vor.u32 $0x3D0, v0;
	v62 =	vor.u32 $0x3E0, v0;
	v63 =	vor.u32 $0x3F0, v0;
	[dreg:$0x6] =	wrdreg s4;
	s4 =	smax.u32 s5, $0x1;
	s5 =	simm.s32 $0x2  }
.LBB2_1:
0x17: {  	s10 =	rddreg [dreg:$0x5]  }
0x18: {  	[tilespmem:s2], [sflag:$0x2] =	stream.linear.gather [hbm4b:s10+s2], $0x438, $0x38;
	[tilespmem:$0x5048] =	vst v63  }
0x19: {  	_ =	swait.ge [sflag:s5], $0x438  }
0x1a: {  	[sflag:s5] =	ssyncset.done $0x0  }
0x1b: {  	s28 =	rddreg [dreg:$0x6];
	[sflag:s5] =	ssyncadd.s32 $0xFFFFFBC8  }
0x1c: {  	[tilespmem:s6], [sflag:$0x2] =	stream.linear.gather [hbm4b:s28+s2], $0x200, $0x38;
	[tilespmem:$0x5048] =	vst v63  }
0x1d: {  	_ =	swait.ge [sflag:s5], $0x200  }
0x1e: {  	[sflag:s5] =	ssyncset.done $0x0  }
0x1f: {  	[sflag:s5] =	ssyncadd.s32 $0xFFFFFE00  }
0x20: {  	v1 =	vld [tilespmem:$0x0]  }
0x21: {  	v2 =	vld [tilespmem:$0x10];
	_ =	sdelay $0x3  }
0x22: {  	v1 =	vmul.f32 $1.442695020e+00, v1  }
0x23: {  	v2 =	vmul.f32 $1.442695020e+00, v2  }
0x24: {  	(erf) = vpow2.f32 v1  }
0x25: {  	(erf) = vpow2.f32 v2;
	_ =	sdelay $0x7  }
0x26: {  	v1 =	vpop (erf)  }
0x27: {  	v2 =	vpop (erf)  }
0x28: {  	(xrf2) =	vadd.scan.msk.f32 $0xffff, v1;
	v2 =	vnsel vm0, $0x0, v2  }
0x29: {  	(xrf2) =	vadd.scan.msk.f32 $0xffff, v2;
	_ =	sdelay $0x8  }
0x2a: {  	v3, _, _ =	vpop (xrf2)  }
0x2b: {  	(v2sf) =	vpush v3, $0xF;
	v3, _, _ =	vpop (xrf2)  }
0x2c: {  	(v2sf) =	vpush v3, $0xF;
	_ =	sdelay $0xd  }
0x2d: {  	s29 =	spop (v2sf)  }
0x2e: {  	s11 =	spop (v2sf)  }
0x2f: {  	s10 =	sadd.f32 s11, s29;
	_ =	sdelay $0x1  }
0x30: {  	v3 =	vmov s10  }
0x31: {  	(erf) = vrcp.f32 v3;
	_ =	sdelay $0x8  }
0x32: {  	v3 =	vpop (erf)  }
0x33: {  	v1 =	vmul.f32 v3, v1;
	_ =	sdelay $0x1  }
0x34: {  	[tilespmem:v0+s7+$0x0] =	vst.idx.msk $0xffff, v1;
	v1 =	vld [tilespmem:$0x1FFB0];
	_ =	sdelay $0x5  }
0x35: {  	v2 =	vmul.f32 v3, v2;
	_ =	sdelay $0x1  }
0x36: {  	[tilespmem:v1+s7+$0x0] =	vst.idx.msk $0x7ff, v2  }
0x37: {  	v1 =	vld [tilespmem:$0x1B]  }
0x38: {  	v2 =	vld [tilespmem:$0x2B];
	_ =	sdelay $0x3  }
0x39: {  	v1 =	vmul.f32 $1.442695020e+00, v1  }
0x3a: {  	v2 =	vmul.f32 $1.442695020e+00, v2  }
0x3b: {  	(erf) = vpow2.f32 v1  }
0x3c: {  	(erf) = vpow2.f32 v2;
	_ =	sdelay $0x7  }
0x3d: {  	v1 =	vpop (erf)  }
0x3e: {  	v2 =	vpop (erf)  }
0x3f: {  	(xrf2) =	vadd.scan.msk.f32 $0xffff, v1;
	v2 =	vnsel vm0, $0x0, v2  }
0x40: {  	(xrf2) =	vadd.scan.msk.f32 $0xffff, v2;
	_ =	sdelay $0x8  }
0x41: {  	v3, _, _ =	vpop (xrf2)  }
0x42: {  	(v2sf) =	vpush v3, $0xF;
	v3, _, _ =	vpop (xrf2)  }
0x43: {  	(v2sf) =	vpush v3, $0xF;
	_ =	sdelay $0xd  }
0x44: {  	s30 =	spop (v2sf)  }
0x45: {  	s31 =	spop (v2sf)  }
0x46: {  	s10 =	sadd.f32 s31, s30;
	_ =	sdelay $0x1  }
0x47: {  	v3 =	vmov s10  }
0x48: {  	(erf) = vrcp.f32 v3;
	_ =	sdelay $0x8  }
0x49: {  	v3 =	vpop (erf)  }
0x4a: {  	v1 =	vmul.f32 v3, v1;
	v2 =	vmul.f32 v3, v2;
	v3 =	vld [tilespmem:$0x1FFC0];
	_ =	sdelay $0x7  }
0x4b: {  	[tilespmem:v3+s7+$0x0] =	vst.idx.msk $0xffff, v1;
	v1 =	vld [tilespmem:$0x1FFD0];
	_ =	sdelay $0x7  }
0x4c: {  	[tilespmem:v1+s7+$0x0] =	vst.idx.msk $0x7ff, v2  }
0x4d: {  	v1 =	vld [tilespmem:$0x36]  }
0x4e: {  	v2 =	vld [tilespmem:$0x46];
	_ =	sdelay $0x3  }
0x4f: {  	v1 =	vmul.f32 $1.442695020e+00, v1  }
0x50: {  	v2 =	vmul.f32 $1.442695020e+00, v2  }
0x51: {  	(erf) = vpow2.f32 v1  }
0x52: {  	(erf) = vpow2.f32 v2;
	_ =	sdelay $0x7  }
0x53: {  	v1 =	vpop (erf)  }
0x54: {  	v2 =	vpop (erf)  }
0x55: {  	(xrf2) =	vadd.scan.msk.f32 $0xffff, v1;
	v2 =	vnsel vm0, $0x0, v2  }
0x56: {  	(xrf2) =	vadd.scan.msk.f32 $0xffff, v2;
	_ =	sdelay $0x8  }
0x57: {  	v3, _, _ =	vpop (xrf2)  }
0x58: {  	(v2sf) =	vpush v3, $0xF;
	v3, _, _ =	vpop (xrf2)  }
0x59: {  	(v2sf) =	vpush v3, $0xF;
	_ =	sdelay $0xd  }
0x5a: {  	s11 =	spop (v2sf)  }
0x5b: {  	s12 =	spop (v2sf)  }
0x5c: {  	s10 =	sadd.f32 s12, s11;
	_ =	sdelay $0x1  }
0x5d: {  	v3 =	vmov s10  }
0x5e: {  	(erf) = vrcp.f32 v3;
	_ =	sdelay $0x8  }
0x5f: {  	v3 =	vpop (erf)  }
0x60: {  	v1 =	vmul.f32 v3, v1;
	v2 =	vmul.f32 v3, v2;
	v3 =	vld [tilespmem:$0x1FFE0];
	_ =	sdelay $0x7  }
0x61: {  	[tilespmem:v3+s7+$0x0] =	vst.idx.msk $0xffff, v1;
	v1 =	vld [tilespmem:$0x1FFF0];
	_ =	sdelay $0x7  }
0x62: {  	[tilespmem:v1+s7+$0x0] =	vst.idx.msk $0x7ff, v2  }
0x63: {  	v1 =	vld [tilespmem:$0x51]  }
0x64: {  	v2 =	vld [tilespmem:$0x61];
	_ =	sdelay $0x3  }
0x65: {  	v1 =	vmul.f32 $1.442695020e+00, v1  }
0x66: {  	v2 =	vmul.f32 $1.442695020e+00, v2  }
0x67: {  	(erf) = vpow2.f32 v1  }
0x68: {  	(erf) = vpow2.f32 v2;
	_ =	sdelay $0x7  }
0x69: {  	v1 =	vpop (erf)  }
0x6a: {  	v2 =	vpop (erf)  }
0x6b: {  	(xrf2) =	vadd.scan.msk.f32 $0xffff, v1;
	v2 =	vnsel vm0, $0x0, v2  }
0x6c: {  	(xrf2) =	vadd.scan.msk.f32 $0xffff, v2;
	_ =	sdelay $0x8  }
0x6d: {  	v3, _, _ =	vpop (xrf2)  }
0x6e: {  	(v2sf) =	vpush v3, $0xF;
	v3, _, _ =	vpop (xrf2)  }
0x6f: {  	(v2sf) =	vpush v3, $0xF;
	_ =	sdelay $0xd  }
0x70: {  	s13 =	spop (v2sf)  }
0x71: {  	s14 =	spop (v2sf)  }
0x72: {  	s10 =	sadd.f32 s14, s13;
	_ =	sdelay $0x1  }
0x73: {  	v3 =	vmov s10  }
0x74: {  	(erf) = vrcp.f32 v3;
	_ =	sdelay $0x8  }
0x75: {  	v3 =	vpop (erf)  }
0x76: {  	v1 =	vmul.f32 v3, v1  }
0x77: {  	v2 =	vmul.f32 v3, v2  }
0x78: {  	[tilespmem:v6+s7+$0x0] =	vst.idx.msk $0xffff, v1  }
0x79: {  	[tilespmem:v7+s7+$0x0] =	vst.idx.msk $0x7ff, v2  }
0x7a: {  	v1 =	vld [tilespmem:$0x6C]  }
0x7b: {  	v2 =	vld [tilespmem:$0x7C];
	_ =	sdelay $0x3  }
0x7c: {  	v1 =	vmul.f32 $1.442695020e+00, v1  }
0x7d: {  	v2 =	vmul.f32 $1.442695020e+00, v2  }
0x7e: {  	(erf) = vpow2.f32 v1  }
0x7f: {  	(erf) = vpow2.f32 v2;
	_ =	sdelay $0x7  }
0x80: {  	v1 =	vpop (erf)  }
0x81: {  	v2 =	vpop (erf)  }
0x82: {  	(xrf2) =	vadd.scan.msk.f32 $0xffff, v1;
	v2 =	vnsel vm0, $0x0, v2  }
0x83: {  	(xrf2) =	vadd.scan.msk.f32 $0xffff, v2;
	_ =	sdelay $0x8  }
0x84: {  	v3, _, _ =	vpop (xrf2)  }
0x85: {  	(v2sf) =	vpush v3, $0xF;
	v3, _, _ =	vpop (xrf2)  }
0x86: {  	(v2sf) =	vpush v3, $0xF;
	_ =	sdelay $0xd  }
0x87: {  	s15 =	spop (v2sf)  }
0x88: {  	s16 =	spop (v2sf)  }
0x89: {  	s10 =	sadd.f32 s16, s15;
	_ =	sdelay $0x1  }
0x8a: {  	v3 =	vmov s10  }
0x8b: {  	(erf) = vrcp.f32 v3;
	_ =	sdelay $0x8  }
0x8c: {  	v3 =	vpop (erf)  }
0x8d: {  	v1 =	vmul.f32 v3, v1  }
0x8e: {  	v2 =	vmul.f32 v3, v2  }
0x8f: {  	[tilespmem:v8+s7+$0x0] =	vst.idx.msk $0xffff, v1  }
0x90: {  	[tilespmem:v9+s7+$0x0] =	vst.idx.msk $0x7ff, v2  }
0x91: {  	v1 =	vld [tilespmem:$0x87]  }
0x92: {  	v2 =	vld [tilespmem:$0x97];
	_ =	sdelay $0x3  }
0x93: {  	v1 =	vmul.f32 $1.442695020e+00, v1  }
0x94: {  	v2 =	vmul.f32 $1.442695020e+00, v2  }
0x95: {  	(erf) = vpow2.f32 v1  }
0x96: {  	(erf) = vpow2.f32 v2;
	_ =	sdelay $0x7  }
0x97: {  	v1 =	vpop (erf)  }
0x98: {  	v2 =	vpop (erf)  }
0x99: {  	(xrf2) =	vadd.scan.msk.f32 $0xffff, v1;
	v2 =	vnsel vm0, $0x0, v2  }
0x9a: {  	(xrf2) =	vadd.scan.msk.f32 $0xffff, v2;
	_ =	sdelay $0x8  }
0x9b: {  	v3, _, _ =	vpop (xrf2)  }
0x9c: {  	(v2sf) =	vpush v3, $0xF;
	v3, _, _ =	vpop (xrf2)  }
0x9d: {  	(v2sf) =	vpush v3, $0xF;
	_ =	sdelay $0xd  }
0x9e: {  	s17 =	spop (v2sf)  }
0x9f: {  	s18 =	spop (v2sf)  }
0xa0: {  	s10 =	sadd.f32 s18, s17;
	_ =	sdelay $0x1  }
0xa1: {  	v3 =	vmov s10  }
0xa2: {  	(erf) = vrcp.f32 v3;
	_ =	sdelay $0x8  }
0xa3: {  	v3 =	vpop (erf)  }
0xa4: {  	v1 =	vmul.f32 v3, v1  }
0xa5: {  	v2 =	vmul.f32 v3, v2  }
0xa6: {  	[tilespmem:v10+s7+$0x0] =	vst.idx.msk $0xffff, v1  }
0xa7: {  	[tilespmem:v11+s7+$0x0] =	vst.idx.msk $0x7ff, v2  }
0xa8: {  	v1 =	vld [tilespmem:$0xA2]  }
0xa9: {  	v2 =	vld [tilespmem:$0xB2];
	_ =	sdelay $0x3  }
0xaa: {  	v1 =	vmul.f32 $1.442695020e+00, v1  }
0xab: {  	v2 =	vmul.f32 $1.442695020e+00, v2  }
0xac: {  	(erf) = vpow2.f32 v1  }
0xad: {  	(erf) = vpow2.f32 v2;
	_ =	sdelay $0x7  }
0xae: {  	v1 =	vpop (erf)  }
0xaf: {  	v2 =	vpop (erf)  }
0xb0: {  	(xrf2) =	vadd.scan.msk.f32 $0xffff, v1;
	v2 =	vnsel vm0, $0x0, v2  }
0xb1: {  	(xrf2) =	vadd.scan.msk.f32 $0xffff, v2;
	_ =	sdelay $0x8  }
0xb2: {  	v3, _, _ =	vpop (xrf2)  }
0xb3: {  	(v2sf) =	vpush v3, $0xF;
	v3, _, _ =	vpop (xrf2)  }
0xb4: {  	(v2sf) =	vpush v3, $0xF;
	_ =	sdelay $0xd  }
0xb5: {  	s19 =	spop (v2sf)  }
0xb6: {  	s20 =	spop (v2sf)  }
0xb7: {  	s10 =	sadd.f32 s20, s19;
	_ =	sdelay $0x1  }
0xb8: {  	v3 =	vmov s10  }
0xb9: {  	(erf) = vrcp.f32 v3;
	_ =	sdelay $0x8  }
0xba: {  	v3 =	vpop (erf)  }
0xbb: {  	v1 =	vmul.f32 v3, v1  }
0xbc: {  	v2 =	vmul.f32 v3, v2  }
0xbd: {  	[tilespmem:v12+s7+$0x0] =	vst.idx.msk $0xffff, v1  }
0xbe: {  	[tilespmem:v13+s7+$0x0] =	vst.idx.msk $0x7ff, v2  }
0xbf: {  	v1 =	vld [tilespmem:$0xBD]  }
0xc0: {  	v2 =	vld [tilespmem:$0xCD];
	_ =	sdelay $0x3  }
0xc1: {  	v1 =	vmul.f32 $1.442695020e+00, v1  }
0xc2: {  	v2 =	vmul.f32 $1.442695020e+00, v2  }
0xc3: {  	(erf) = vpow2.f32 v1  }
0xc4: {  	(erf) = vpow2.f32 v2;
	_ =	sdelay $0x7  }
0xc5: {  	v1 =	vpop (erf)  }
0xc6: {  	v2 =	vpop (erf)  }
0xc7: {  	(xrf2) =	vadd.scan.msk.f32 $0xffff, v1;
	v2 =	vnsel vm0, $0x0, v2  }
0xc8: {  	(xrf2) =	vadd.scan.msk.f32 $0xffff, v2;
	_ =	sdelay $0x8  }
0xc9: {  	v3, _, _ =	vpop (xrf2)  }
0xca: {  	(v2sf) =	vpush v3, $0xF;
	v3, _, _ =	vpop (xrf2)  }
0xcb: {  	(v2sf) =	vpush v3, $0xF;
	_ =	sdelay $0xd  }
0xcc: {  	s21 =	spop (v2sf)  }
0xcd: {  	s22 =	spop (v2sf)  }
0xce: {  	s10 =	sadd.f32 s22, s21;
	_ =	sdelay $0x1  }
0xcf: {  	v3 =	vmov s10  }
0xd0: {  	(erf) = vrcp.f32 v3;
	_ =	sdelay $0x8  }
0xd1: {  	v3 =	vpop (erf)  }
0xd2: {  	v1 =	vmul.f32 v3, v1  }
0xd3: {  	v2 =	vmul.f32 v3, v2  }
0xd4: {  	[tilespmem:v14+s7+$0x0] =	vst.idx.msk $0xffff, v1  }
0xd5: {  	[tilespmem:v15+s7+$0x0] =	vst.idx.msk $0x7ff, v2  }
0xd6: {  	v1 =	vld [tilespmem:$0xD8]  }
0xd7: {  	v2 =	vld [tilespmem:$0xE8];
	_ =	sdelay $0x3  }
0xd8: {  	v1 =	vmul.f32 $1.442695020e+00, v1  }
0xd9: {  	v2 =	vmul.f32 $1.442695020e+00, v2  }
0xda: {  	(erf) = vpow2.f32 v1  }
0xdb: {  	(erf) = vpow2.f32 v2;
	_ =	sdelay $0x7  }
0xdc: {  	v1 =	vpop (erf)  }
0xdd: {  	v2 =	vpop (erf)  }
0xde: {  	(xrf2) =	vadd.scan.msk.f32 $0xffff, v1;
	v2 =	vnsel vm0, $0x0, v2  }
0xdf: {  	(xrf2) =	vadd.scan.msk.f32 $0xffff, v2;
	_ =	sdelay $0x8  }
0xe0: {  	v3, _, _ =	vpop (xrf2)  }
0xe1: {  	(v2sf) =	vpush v3, $0xF;
	v3, _, _ =	vpop (xrf2)  }
0xe2: {  	(v2sf) =	vpush v3, $0xF;
	_ =	sdelay $0xd  }
0xe3: {  	s23 =	spop (v2sf)  }
0xe4: {  	s24 =	spop (v2sf)  }
0xe5: {  	s10 =	sadd.f32 s24, s23;
	_ =	sdelay $0x1  }
0xe6: {  	v3 =	vmov s10  }
0xe7: {  	(erf) = vrcp.f32 v3;
	_ =	sdelay $0x8  }
0xe8: {  	v3 =	vpop (erf)  }
0xe9: {  	v1 =	vmul.f32 v3, v1  }
0xea: {  	v2 =	vmul.f32 v3, v2  }
0xeb: {  	[tilespmem:v16+s7+$0x0] =	vst.idx.msk $0xffff, v1  }
0xec: {  	[tilespmem:v17+s7+$0x0] =	vst.idx.msk $0x7ff, v2  }
0xed: {  	v1 =	vld [tilespmem:$0xF3]  }
0xee: {  	v2 =	vld [tilespmem:$0x103];
	_ =	sdelay $0x3  }
0xef: {  	v1 =	vmul.f32 $1.442695020e+00, v1  }
0xf0: {  	v2 =	vmul.f32 $1.442695020e+00, v2  }
0xf1: {  	(erf) = vpow2.f32 v1  }
0xf2: {  	(erf) = vpow2.f32 v2;
	_ =	sdelay $0x7  }
0xf3: {  	v1 =	vpop (erf)  }
0xf4: {  	v2 =	vpop (erf)  }
0xf5: {  	(xrf2) =	vadd.scan.msk.f32 $0xffff, v1;
	v2 =	vnsel vm0, $0x0, v2  }
0xf6: {  	(xrf2) =	vadd.scan.msk.f32 $0xffff, v2;
	_ =	sdelay $0x8  }
0xf7: {  	v3, _, _ =	vpop (xrf2)  }
0xf8: {  	(v2sf) =	vpush v3, $0xF;
	v3, _, _ =	vpop (xrf2)  }
0xf9: {  	(v2sf) =	vpush v3, $0xF;
	_ =	sdelay $0xd  }
0xfa: {  	s25 =	spop (v2sf)  }
0xfb: {  	s26 =	spop (v2sf)  }
0xfc: {  	s10 =	sadd.f32 s26, s25;
	_ =	sdelay $0x1  }
0xfd: {  	v3 =	vmov s10  }
0xfe: {  	(erf) = vrcp.f32 v3;
	_ =	sdelay $0x8  }
0xff: {  	v3 =	vpop (erf)  }
0x100: {  	v1 =	vmul.f32 v3, v1  }
0x101: {  	v2 =	vmul.f32 v3, v2  }
0x102: {  	[tilespmem:v18+s7+$0x0] =	vst.idx.msk $0xffff, v1  }
0x103: {  	[tilespmem:v19+s7+$0x0] =	vst.idx.msk $0x7ff, v2  }
0x104: {  	v1 =	vld [tilespmem:$0x10E]  }
0x105: {  	v2 =	vld [tilespmem:$0x11E];
	_ =	sdelay $0x3  }
0x106: {  	v1 =	vmul.f32 $1.442695020e+00, v1  }
0x107: {  	v2 =	vmul.f32 $1.442695020e+00, v2  }
0x108: {  	(erf) = vpow2.f32 v1  }
0x109: {  	(erf) = vpow2.f32 v2;
	_ =	sdelay $0x7  }
0x10a: {  	v1 =	vpop (erf)  }
0x10b: {  	v2 =	vpop (erf)  }
0x10c: {  	(xrf2) =	vadd.scan.msk.f32 $0xffff, v1;
	v2 =	vnsel vm0, $0x0, v2  }
0x10d: {  	(xrf2) =	vadd.scan.msk.f32 $0xffff, v2;
	_ =	sdelay $0x8  }
0x10e: {  	v3, _, _ =	vpop (xrf2)  }
0x10f: {  	(v2sf) =	vpush v3, $0xF;
	v3, _, _ =	vpop (xrf2)  }
0x110: {  	(v2sf) =	vpush v3, $0xF;
	_ =	sdelay $0xd  }
0x111: {  	s28 =	spop (v2sf)  }
0x112: {  	s29 =	spop (v2sf)  }
0x113: {  	s10 =	sadd.f32 s29, s28;
	_ =	sdelay $0x1  }
0x114: {  	v3 =	vmov s10  }
0x115: {  	(erf) = vrcp.f32 v3;
	_ =	sdelay $0x8  }
0x116: {  	v3 =	vpop (erf)  }
0x117: {  	v1 =	vmul.f32 v3, v1  }
0x118: {  	v2 =	vmul.f32 v3, v2  }
0x119: {  	[tilespmem:v20+s7+$0x0] =	vst.idx.msk $0xffff, v1  }
0x11a: {  	[tilespmem:v21+s7+$0x0] =	vst.idx.msk $0x7ff, v2  }
0x11b: {  	v1 =	vld [tilespmem:$0x129]  }
0x11c: {  	v2 =	vld [tilespmem:$0x139];
	_ =	sdelay $0x3  }
0x11d: {  	v1 =	vmul.f32 $1.442695020e+00, v1  }
0x11e: {  	v2 =	vmul.f32 $1.442695020e+00, v2  }
0x11f: {  	(erf) = vpow2.f32 v1  }
0x120: {  	(erf) = vpow2.f32 v2;
	_ =	sdelay $0x7  }
0x121: {  	v1 =	vpop (erf)  }
0x122: {  	v2 =	vpop (erf)  }
0x123: {  	(xrf2) =	vadd.scan.msk.f32 $0xffff, v1;
	v2 =	vnsel vm0, $0x0, v2  }
0x124: {  	(xrf2) =	vadd.scan.msk.f32 $0xffff, v2;
	_ =	sdelay $0x8  }
0x125: {  	v3, _, _ =	vpop (xrf2)  }
0x126: {  	(v2sf) =	vpush v3, $0xF;
	v3, _, _ =	vpop (xrf2)  }
0x127: {  	(v2sf) =	vpush v3, $0xF;
	_ =	sdelay $0xd  }
0x128: {  	s30 =	spop (v2sf)  }
0x129: {  	s31 =	spop (v2sf)  }
0x12a: {  	s10 =	sadd.f32 s31, s30;
	_ =	sdelay $0x1  }
0x12b: {  	v3 =	vmov s10  }
0x12c: {  	(erf) = vrcp.f32 v3;
	_ =	sdelay $0x8  }
0x12d: {  	v3 =	vpop (erf)  }
0x12e: {  	v1 =	vmul.f32 v3, v1  }
0x12f: {  	v2 =	vmul.f32 v3, v2  }
0x130: {  	[tilespmem:v22+s7+$0x0] =	vst.idx.msk $0xffff, v1  }
0x131: {  	[tilespmem:v23+s7+$0x0] =	vst.idx.msk $0x7ff, v2  }
0x132: {  	v1 =	vld [tilespmem:$0x144]  }
0x133: {  	v2 =	vld [tilespmem:$0x154];
	_ =	sdelay $0x3  }
0x134: {  	v1 =	vmul.f32 $1.442695020e+00, v1  }
0x135: {  	v2 =	vmul.f32 $1.442695020e+00, v2  }
0x136: {  	(erf) = vpow2.f32 v1  }
0x137: {  	(erf) = vpow2.f32 v2;
	_ =	sdelay $0x7  }
0x138: {  	v1 =	vpop (erf)  }
0x139: {  	v2 =	vpop (erf)  }
0x13a: {  	(xrf2) =	vadd.scan.msk.f32 $0xffff, v1;
	v2 =	vnsel vm0, $0x0, v2  }
0x13b: {  	(xrf2) =	vadd.scan.msk.f32 $0xffff, v2;
	_ =	sdelay $0x8  }
0x13c: {  	v3, _, _ =	vpop (xrf2)  }
0x13d: {  	(v2sf) =	vpush v3, $0xF;
	v3, _, _ =	vpop (xrf2)  }
0x13e: {  	(v2sf) =	vpush v3, $0xF;
	_ =	sdelay $0xd  }
0x13f: {  	s11 =	spop (v2sf)  }
0x140: {  	s12 =	spop (v2sf)  }
0x141: {  	s10 =	sadd.f32 s12, s11;
	_ =	sdelay $0x1  }
0x142: {  	v3 =	vmov s10  }
0x143: {  	(erf) = vrcp.f32 v3;
	_ =	sdelay $0x8  }
0x144: {  	v3 =	vpop (erf)  }
0x145: {  	v1 =	vmul.f32 v3, v1  }
0x146: {  	v2 =	vmul.f32 v3, v2  }
0x147: {  	[tilespmem:v24+s7+$0x0] =	vst.idx.msk $0xffff, v1  }
0x148: {  	[tilespmem:v25+s7+$0x0] =	vst.idx.msk $0x7ff, v2  }
0x149: {  	v1 =	vld [tilespmem:$0x15F]  }
0x14a: {  	v2 =	vld [tilespmem:$0x16F];
	_ =	sdelay $0x3  }
0x14b: {  	v1 =	vmul.f32 $1.442695020e+00, v1  }
0x14c: {  	v2 =	vmul.f32 $1.442695020e+00, v2  }
0x14d: {  	(erf) = vpow2.f32 v1  }
0x14e: {  	(erf) = vpow2.f32 v2;
	_ =	sdelay $0x7  }
0x14f: {  	v1 =	vpop (erf)  }
0x150: {  	v2 =	vpop (erf)  }
0x151: {  	(xrf2) =	vadd.scan.msk.f32 $0xffff, v1;
	v2 =	vnsel vm0, $0x0, v2  }
0x152: {  	(xrf2) =	vadd.scan.msk.f32 $0xffff, v2;
	_ =	sdelay $0x8  }
0x153: {  	v3, _, _ =	vpop (xrf2)  }
0x154: {  	(v2sf) =	vpush v3, $0xF;
	v3, _, _ =	vpop (xrf2)  }
0x155: {  	(v2sf) =	vpush v3, $0xF;
	_ =	sdelay $0xd  }
0x156: {  	s13 =	spop (v2sf)  }
0x157: {  	s14 =	spop (v2sf)  }
0x158: {  	s10 =	sadd.f32 s14, s13;
	_ =	sdelay $0x1  }
0x159: {  	v3 =	vmov s10  }
0x15a: {  	(erf) = vrcp.f32 v3;
	_ =	sdelay $0x8  }
0x15b: {  	v3 =	vpop (erf)  }
0x15c: {  	v1 =	vmul.f32 v3, v1  }
0x15d: {  	v2 =	vmul.f32 v3, v2  }
0x15e: {  	[tilespmem:v26+s7+$0x0] =	vst.idx.msk $0xffff, v1  }
0x15f: {  	[tilespmem:v27+s7+$0x0] =	vst.idx.msk $0x7ff, v2  }
0x160: {  	v1 =	vld [tilespmem:$0x17A]  }
0x161: {  	v2 =	vld [tilespmem:$0x18A];
	_ =	sdelay $0x3  }
0x162: {  	v1 =	vmul.f32 $1.442695020e+00, v1  }
0x163: {  	v2 =	vmul.f32 $1.442695020e+00, v2  }
0x164: {  	(erf) = vpow2.f32 v1  }
0x165: {  	(erf) = vpow2.f32 v2;
	_ =	sdelay $0x7  }
0x166: {  	v1 =	vpop (erf)  }
0x167: {  	v2 =	vpop (erf)  }
0x168: {  	(xrf2) =	vadd.scan.msk.f32 $0xffff, v1;
	v2 =	vnsel vm0, $0x0, v2  }
0x169: {  	(xrf2) =	vadd.scan.msk.f32 $0xffff, v2;
	_ =	sdelay $0x8  }
0x16a: {  	v3, _, _ =	vpop (xrf2)  }
0x16b: {  	(v2sf) =	vpush v3, $0xF;
	v3, _, _ =	vpop (xrf2)  }
0x16c: {  	(v2sf) =	vpush v3, $0xF;
	_ =	sdelay $0xd  }
0x16d: {  	s15 =	spop (v2sf)  }
0x16e: {  	s16 =	spop (v2sf)  }
0x16f: {  	s10 =	sadd.f32 s16, s15;
	_ =	sdelay $0x1  }
0x170: {  	v3 =	vmov s10  }
0x171: {  	(erf) = vrcp.f32 v3;
	_ =	sdelay $0x8  }
0x172: {  	v3 =	vpop (erf)  }
0x173: {  	v1 =	vmul.f32 v3, v1  }
0x174: {  	v2 =	vmul.f32 v3, v2  }
0x175: {  	[tilespmem:v28+s7+$0x0] =	vst.idx.msk $0xffff, v1  }
0x176: {  	[tilespmem:v29+s7+$0x0] =	vst.idx.msk $0x7ff, v2  }
0x177: {  	v1 =	vld [tilespmem:$0x195]  }
0x178: {  	v2 =	vld [tilespmem:$0x1A5];
	_ =	sdelay $0x3  }
0x179: {  	v1 =	vmul.f32 $1.442695020e+00, v1  }
0x17a: {  	v2 =	vmul.f32 $1.442695020e+00, v2  }
0x17b: {  	(erf) = vpow2.f32 v1  }
0x17c: {  	(erf) = vpow2.f32 v2;
	_ =	sdelay $0x7  }
0x17d: {  	v1 =	vpop (erf)  }
0x17e: {  	v2 =	vpop (erf)  }
0x17f: {  	(xrf2) =	vadd.scan.msk.f32 $0xffff, v1;
	v2 =	vnsel vm0, $0x0, v2  }
0x180: {  	(xrf2) =	vadd.scan.msk.f32 $0xffff, v2;
	_ =	sdelay $0x8  }
0x181: {  	v3, _, _ =	vpop (xrf2)  }
0x182: {  	(v2sf) =	vpush v3, $0xF;
	v3, _, _ =	vpop (xrf2)  }
0x183: {  	(v2sf) =	vpush v3, $0xF;
	_ =	sdelay $0xd  }
0x184: {  	s17 =	spop (v2sf)  }
0x185: {  	s18 =	spop (v2sf)  }
0x186: {  	s10 =	sadd.f32 s18, s17;
	_ =	sdelay $0x1  }
0x187: {  	v3 =	vmov s10  }
0x188: {  	(erf) = vrcp.f32 v3;
	_ =	sdelay $0x8  }
0x189: {  	v3 =	vpop (erf)  }
0x18a: {  	v1 =	vmul.f32 v3, v1  }
0x18b: {  	v2 =	vmul.f32 v3, v2  }
0x18c: {  	[tilespmem:v30+s7+$0x0] =	vst.idx.msk $0xffff, v1  }
0x18d: {  	[tilespmem:v31+s7+$0x0] =	vst.idx.msk $0x7ff, v2  }
0x18e: {  	v1 =	vld [tilespmem:$0x1B0]  }
0x18f: {  	v2 =	vld [tilespmem:$0x1C0];
	_ =	sdelay $0x3  }
0x190: {  	v1 =	vmul.f32 $1.442695020e+00, v1  }
0x191: {  	v2 =	vmul.f32 $1.442695020e+00, v2  }
0x192: {  	(erf) = vpow2.f32 v1  }
0x193: {  	(erf) = vpow2.f32 v2;
	_ =	sdelay $0x7  }
0x194: {  	v1 =	vpop (erf)  }
0x195: {  	v2 =	vpop (erf)  }
0x196: {  	(xrf2) =	vadd.scan.msk.f32 $0xffff, v1;
	v2 =	vnsel vm0, $0x0, v2  }
0x197: {  	(xrf2) =	vadd.scan.msk.f32 $0xffff, v2;
	_ =	sdelay $0x8  }
0x198: {  	v3, _, _ =	vpop (xrf2)  }
0x199: {  	(v2sf) =	vpush v3, $0xF;
	v3, _, _ =	vpop (xrf2)  }
0x19a: {  	(v2sf) =	vpush v3, $0xF;
	_ =	sdelay $0xd  }
0x19b: {  	s19 =	spop (v2sf)  }
0x19c: {  	s20 =	spop (v2sf)  }
0x19d: {  	s10 =	sadd.f32 s20, s19;
	_ =	sdelay $0x1  }
0x19e: {  	v3 =	vmov s10  }
0x19f: {  	(erf) = vrcp.f32 v3;
	_ =	sdelay $0x8  }
0x1a0: {  	v3 =	vpop (erf)  }
0x1a1: {  	v1 =	vmul.f32 v3, v1  }
0x1a2: {  	v2 =	vmul.f32 v3, v2  }
0x1a3: {  	[tilespmem:v32+s7+$0x0] =	vst.idx.msk $0xffff, v1  }
0x1a4: {  	[tilespmem:v33+s7+$0x0] =	vst.idx.msk $0x7ff, v2  }
0x1a5: {  	v1 =	vld [tilespmem:$0x1CB]  }
0x1a6: {  	v2 =	vld [tilespmem:$0x1DB];
	_ =	sdelay $0x3  }
0x1a7: {  	v1 =	vmul.f32 $1.442695020e+00, v1  }
0x1a8: {  	v2 =	vmul.f32 $1.442695020e+00, v2  }
0x1a9: {  	(erf) = vpow2.f32 v1  }
0x1aa: {  	(erf) = vpow2.f32 v2;
	_ =	sdelay $0x7  }
0x1ab: {  	v1 =	vpop (erf)  }
0x1ac: {  	v2 =	vpop (erf)  }
0x1ad: {  	(xrf2) =	vadd.scan.msk.f32 $0xffff, v1;
	v2 =	vnsel vm0, $0x0, v2  }
0x1ae: {  	(xrf2) =	vadd.scan.msk.f32 $0xffff, v2;
	_ =	sdelay $0x8  }
0x1af: {  	v3, _, _ =	vpop (xrf2)  }
0x1b0: {  	(v2sf) =	vpush v3, $0xF;
	v3, _, _ =	vpop (xrf2)  }
0x1b1: {  	(v2sf) =	vpush v3, $0xF;
	_ =	sdelay $0xd  }
0x1b2: {  	s21 =	spop (v2sf)  }
0x1b3: {  	s22 =	spop (v2sf)  }
0x1b4: {  	s10 =	sadd.f32 s22, s21;
	_ =	sdelay $0x1  }
0x1b5: {  	v3 =	vmov s10  }
0x1b6: {  	(erf) = vrcp.f32 v3;
	_ =	sdelay $0x8  }
0x1b7: {  	v3 =	vpop (erf)  }
0x1b8: {  	v1 =	vmul.f32 v3, v1  }
0x1b9: {  	v2 =	vmul.f32 v3, v2  }
0x1ba: {  	[tilespmem:v34+s7+$0x0] =	vst.idx.msk $0xffff, v1  }
0x1bb: {  	[tilespmem:v35+s7+$0x0] =	vst.idx.msk $0x7ff, v2  }
0x1bc: {  	v1 =	vld [tilespmem:$0x1E6]  }
0x1bd: {  	v2 =	vld [tilespmem:$0x1F6];
	_ =	sdelay $0x3  }
0x1be: {  	v1 =	vmul.f32 $1.442695020e+00, v1  }
0x1bf: {  	v2 =	vmul.f32 $1.442695020e+00, v2  }
0x1c0: {  	(erf) = vpow2.f32 v1  }
0x1c1: {  	(erf) = vpow2.f32 v2;
	_ =	sdelay $0x7  }
0x1c2: {  	v1 =	vpop (erf)  }
0x1c3: {  	v2 =	vpop (erf)  }
0x1c4: {  	(xrf2) =	vadd.scan.msk.f32 $0xffff, v1;
	v2 =	vnsel vm0, $0x0, v2  }
0x1c5: {  	(xrf2) =	vadd.scan.msk.f32 $0xffff, v2;
	_ =	sdelay $0x8  }
0x1c6: {  	v3, _, _ =	vpop (xrf2)  }
0x1c7: {  	(v2sf) =	vpush v3, $0xF;
	v3, _, _ =	vpop (xrf2)  }
0x1c8: {  	(v2sf) =	vpush v3, $0xF;
	_ =	sdelay $0xd  }
0x1c9: {  	s23 =	spop (v2sf)  }
0x1ca: {  	s24 =	spop (v2sf)  }
0x1cb: {  	s10 =	sadd.f32 s24, s23;
	_ =	sdelay $0x1  }
0x1cc: {  	v3 =	vmov s10  }
0x1cd: {  	(erf) = vrcp.f32 v3;
	_ =	sdelay $0x8  }
0x1ce: {  	v3 =	vpop (erf)  }
0x1cf: {  	v1 =	vmul.f32 v3, v1  }
0x1d0: {  	v2 =	vmul.f32 v3, v2  }
0x1d1: {  	[tilespmem:v36+s7+$0x0] =	vst.idx.msk $0xffff, v1  }
0x1d2: {  	[tilespmem:v37+s7+$0x0] =	vst.idx.msk $0x7ff, v2  }
0x1d3: {  	v1 =	vld [tilespmem:$0x201]  }
0x1d4: {  	v2 =	vld [tilespmem:$0x211];
	_ =	sdelay $0x3  }
0x1d5: {  	v1 =	vmul.f32 $1.442695020e+00, v1  }
0x1d6: {  	v2 =	vmul.f32 $1.442695020e+00, v2  }
0x1d7: {  	(erf) = vpow2.f32 v1  }
0x1d8: {  	(erf) = vpow2.f32 v2;
	_ =	sdelay $0x7  }
0x1d9: {  	v1 =	vpop (erf)  }
0x1da: {  	v2 =	vpop (erf)  }
0x1db: {  	(xrf2) =	vadd.scan.msk.f32 $0xffff, v1;
	v2 =	vnsel vm0, $0x0, v2  }
0x1dc: {  	(xrf2) =	vadd.scan.msk.f32 $0xffff, v2;
	_ =	sdelay $0x8  }
0x1dd: {  	v3, _, _ =	vpop (xrf2)  }
0x1de: {  	(v2sf) =	vpush v3, $0xF;
	v3, _, _ =	vpop (xrf2)  }
0x1df: {  	(v2sf) =	vpush v3, $0xF;
	_ =	sdelay $0xd  }
0x1e0: {  	s25 =	spop (v2sf)  }
0x1e1: {  	s26 =	spop (v2sf)  }
0x1e2: {  	s10 =	sadd.f32 s26, s25;
	_ =	sdelay $0x1  }
0x1e3: {  	v3 =	vmov s10  }
0x1e4: {  	(erf) = vrcp.f32 v3;
	_ =	sdelay $0x8  }
0x1e5: {  	v3 =	vpop (erf)  }
0x1e6: {  	v1 =	vmul.f32 v3, v1  }
0x1e7: {  	v2 =	vmul.f32 v3, v2  }
0x1e8: {  	[tilespmem:v38+s7+$0x0] =	vst.idx.msk $0xffff, v1  }
0x1e9: {  	[tilespmem:v39+s7+$0x0] =	vst.idx.msk $0x7ff, v2  }
0x1ea: {  	v1 =	vld [tilespmem:$0x21C]  }
0x1eb: {  	v2 =	vld [tilespmem:$0x22C];
	_ =	sdelay $0x3  }
0x1ec: {  	v1 =	vmul.f32 $1.442695020e+00, v1  }
0x1ed: {  	v2 =	vmul.f32 $1.442695020e+00, v2  }
0x1ee: {  	(erf) = vpow2.f32 v1  }
0x1ef: {  	(erf) = vpow2.f32 v2;
	_ =	sdelay $0x7  }
0x1f0: {  	v1 =	vpop (erf)  }
0x1f1: {  	v2 =	vpop (erf)  }
0x1f2: {  	(xrf2) =	vadd.scan.msk.f32 $0xffff, v1;
	v2 =	vnsel vm0, $0x0, v2  }
0x1f3: {  	(xrf2) =	vadd.scan.msk.f32 $0xffff, v2;
	_ =	sdelay $0x8  }
0x1f4: {  	v3, _, _ =	vpop (xrf2)  }
0x1f5: {  	(v2sf) =	vpush v3, $0xF;
	v3, _, _ =	vpop (xrf2)  }
0x1f6: {  	(v2sf) =	vpush v3, $0xF;
	_ =	sdelay $0xd  }
0x1f7: {  	s28 =	spop (v2sf)  }
0x1f8: {  	s29 =	spop (v2sf)  }
0x1f9: {  	s10 =	sadd.f32 s29, s28;
	_ =	sdelay $0x1  }
0x1fa: {  	v3 =	vmov s10  }
0x1fb: {  	(erf) = vrcp.f32 v3;
	_ =	sdelay $0x8  }
0x1fc: {  	v3 =	vpop (erf)  }
0x1fd: {  	v1 =	vmul.f32 v3, v1  }
0x1fe: {  	v2 =	vmul.f32 v3, v2  }
0x1ff: {  	[tilespmem:v40+s7+$0x0] =	vst.idx.msk $0xffff, v1  }
0x200: {  	[tilespmem:v41+s7+$0x0] =	vst.idx.msk $0x7ff, v2  }
0x201: {  	v1 =	vld [tilespmem:$0x237]  }
0x202: {  	v2 =	vld [tilespmem:$0x247];
	_ =	sdelay $0x3  }
0x203: {  	v1 =	vmul.f32 $1.442695020e+00, v1  }
0x204: {  	v2 =	vmul.f32 $1.442695020e+00, v2  }
0x205: {  	(erf) = vpow2.f32 v1  }
0x206: {  	(erf) = vpow2.f32 v2;
	_ =	sdelay $0x7  }
0x207: {  	v1 =	vpop (erf)  }
0x208: {  	v2 =	vpop (erf)  }
0x209: {  	(xrf2) =	vadd.scan.msk.f32 $0xffff, v1;
	v2 =	vnsel vm0, $0x0, v2  }
0x20a: {  	(xrf2) =	vadd.scan.msk.f32 $0xffff, v2;
	_ =	sdelay $0x8  }
0x20b: {  	v3, _, _ =	vpop (xrf2)  }
0x20c: {  	(v2sf) =	vpush v3, $0xF;
	v3, _, _ =	vpop (xrf2)  }
0x20d: {  	(v2sf) =	vpush v3, $0xF;
	_ =	sdelay $0xd  }
0x20e: {  	s30 =	spop (v2sf)  }
0x20f: {  	s31 =	spop (v2sf)  }
0x210: {  	s10 =	sadd.f32 s31, s30;
	_ =	sdelay $0x1  }
0x211: {  	v3 =	vmov s10  }
0x212: {  	(erf) = vrcp.f32 v3;
	_ =	sdelay $0x8  }
0x213: {  	v3 =	vpop (erf)  }
0x214: {  	v1 =	vmul.f32 v3, v1  }
0x215: {  	v2 =	vmul.f32 v3, v2  }
0x216: {  	[tilespmem:v42+s7+$0x0] =	vst.idx.msk $0xffff, v1  }
0x217: {  	[tilespmem:v43+s7+$0x0] =	vst.idx.msk $0x7ff, v2  }
0x218: {  	v1 =	vld [tilespmem:$0x252]  }
0x219: {  	v2 =	vld [tilespmem:$0x262];
	_ =	sdelay $0x3  }
0x21a: {  	v1 =	vmul.f32 $1.442695020e+00, v1  }
0x21b: {  	v2 =	vmul.f32 $1.442695020e+00, v2  }
0x21c: {  	(erf) = vpow2.f32 v1  }
0x21d: {  	(erf) = vpow2.f32 v2;
	_ =	sdelay $0x7  }
0x21e: {  	v1 =	vpop (erf)  }
0x21f: {  	v2 =	vpop (erf)  }
0x220: {  	(xrf2) =	vadd.scan.msk.f32 $0xffff, v1;
	v2 =	vnsel vm0, $0x0, v2  }
0x221: {  	(xrf2) =	vadd.scan.msk.f32 $0xffff, v2;
	_ =	sdelay $0x8  }
0x222: {  	v3, _, _ =	vpop (xrf2)  }
0x223: {  	(v2sf) =	vpush v3, $0xF;
	v3, _, _ =	vpop (xrf2)  }
0x224: {  	(v2sf) =	vpush v3, $0xF;
	_ =	sdelay $0xd  }
0x225: {  	s11 =	spop (v2sf)  }
0x226: {  	s12 =	spop (v2sf)  }
0x227: {  	s10 =	sadd.f32 s12, s11;
	_ =	sdelay $0x1  }
0x228: {  	v3 =	vmov s10  }
0x229: {  	(erf) = vrcp.f32 v3;
	_ =	sdelay $0x8  }
0x22a: {  	v3 =	vpop (erf)  }
0x22b: {  	v1 =	vmul.f32 v3, v1  }
0x22c: {  	v2 =	vmul.f32 v3, v2  }
0x22d: {  	[tilespmem:v44+s7+$0x0] =	vst.idx.msk $0xffff, v1  }
0x22e: {  	[tilespmem:v45+s7+$0x0] =	vst.idx.msk $0x7ff, v2  }
0x22f: {  	v1 =	vld [tilespmem:$0x26D]  }
0x230: {  	v2 =	vld [tilespmem:$0x27D];
	_ =	sdelay $0x3  }
0x231: {  	v1 =	vmul.f32 $1.442695020e+00, v1  }
0x232: {  	v2 =	vmul.f32 $1.442695020e+00, v2  }
0x233: {  	(erf) = vpow2.f32 v1  }
0x234: {  	(erf) = vpow2.f32 v2;
	_ =	sdelay $0x7  }
0x235: {  	v1 =	vpop (erf)  }
0x236: {  	v2 =	vpop (erf)  }
0x237: {  	(xrf2) =	vadd.scan.msk.f32 $0xffff, v1;
	v2 =	vnsel vm0, $0x0, v2  }
0x238: {  	(xrf2) =	vadd.scan.msk.f32 $0xffff, v2;
	_ =	sdelay $0x8  }
0x239: {  	v3, _, _ =	vpop (xrf2)  }
0x23a: {  	(v2sf) =	vpush v3, $0xF;
	v3, _, _ =	vpop (xrf2)  }
0x23b: {  	(v2sf) =	vpush v3, $0xF;
	_ =	sdelay $0xd  }
0x23c: {  	s13 =	spop (v2sf)  }
0x23d: {  	s14 =	spop (v2sf)  }
0x23e: {  	s10 =	sadd.f32 s14, s13;
	_ =	sdelay $0x1  }
0x23f: {  	v3 =	vmov s10  }
0x240: {  	(erf) = vrcp.f32 v3;
	_ =	sdelay $0x8  }
0x241: {  	v3 =	vpop (erf)  }
0x242: {  	v1 =	vmul.f32 v3, v1  }
0x243: {  	v2 =	vmul.f32 v3, v2  }
0x244: {  	[tilespmem:v46+s7+$0x0] =	vst.idx.msk $0xffff, v1  }
0x245: {  	[tilespmem:v47+s7+$0x0] =	vst.idx.msk $0x7ff, v2  }
0x246: {  	v1 =	vld [tilespmem:$0x288]  }
0x247: {  	v2 =	vld [tilespmem:$0x298];
	_ =	sdelay $0x3  }
0x248: {  	v1 =	vmul.f32 $1.442695020e+00, v1  }
0x249: {  	v2 =	vmul.f32 $1.442695020e+00, v2  }
0x24a: {  	(erf) = vpow2.f32 v1  }
0x24b: {  	(erf) = vpow2.f32 v2;
	_ =	sdelay $0x7  }
0x24c: {  	v1 =	vpop (erf)  }
0x24d: {  	v2 =	vpop (erf)  }
0x24e: {  	(xrf2) =	vadd.scan.msk.f32 $0xffff, v1;
	v2 =	vnsel vm0, $0x0, v2  }
0x24f: {  	(xrf2) =	vadd.scan.msk.f32 $0xffff, v2;
	_ =	sdelay $0x8  }
0x250: {  	v3, _, _ =	vpop (xrf2)  }
0x251: {  	(v2sf) =	vpush v3, $0xF;
	v3, _, _ =	vpop (xrf2)  }
0x252: {  	(v2sf) =	vpush v3, $0xF;
	_ =	sdelay $0xd  }
0x253: {  	s15 =	spop (v2sf)  }
0x254: {  	s16 =	spop (v2sf)  }
0x255: {  	s10 =	sadd.f32 s16, s15;
	_ =	sdelay $0x1  }
0x256: {  	v3 =	vmov s10  }
0x257: {  	(erf) = vrcp.f32 v3;
	_ =	sdelay $0x8  }
0x258: {  	v3 =	vpop (erf)  }
0x259: {  	v1 =	vmul.f32 v3, v1  }
0x25a: {  	v2 =	vmul.f32 v3, v2  }
0x25b: {  	[tilespmem:v48+s7+$0x0] =	vst.idx.msk $0xffff, v1  }
0x25c: {  	[tilespmem:v49+s7+$0x0] =	vst.idx.msk $0x7ff, v2  }
0x25d: {  	v1 =	vld [tilespmem:$0x2A3]  }
0x25e: {  	v2 =	vld [tilespmem:$0x2B3];
	_ =	sdelay $0x3  }
0x25f: {  	v1 =	vmul.f32 $1.442695020e+00, v1  }
0x260: {  	v2 =	vmul.f32 $1.442695020e+00, v2  }
0x261: {  	(erf) = vpow2.f32 v1  }
0x262: {  	(erf) = vpow2.f32 v2;
	_ =	sdelay $0x7  }
0x263: {  	v1 =	vpop (erf)  }
0x264: {  	v2 =	vpop (erf)  }
0x265: {  	(xrf2) =	vadd.scan.msk.f32 $0xffff, v1;
	v2 =	vnsel vm0, $0x0, v2  }
0x266: {  	(xrf2) =	vadd.scan.msk.f32 $0xffff, v2;
	_ =	sdelay $0x8  }
0x267: {  	v3, _, _ =	vpop (xrf2)  }
0x268: {  	(v2sf) =	vpush v3, $0xF;
	v3, _, _ =	vpop (xrf2)  }
0x269: {  	(v2sf) =	vpush v3, $0xF;
	_ =	sdelay $0xd  }
0x26a: {  	s17 =	spop (v2sf)  }
0x26b: {  	s18 =	spop (v2sf)  }
0x26c: {  	s10 =	sadd.f32 s18, s17;
	_ =	sdelay $0x1  }
0x26d: {  	v3 =	vmov s10  }
0x26e: {  	(erf) = vrcp.f32 v3;
	_ =	sdelay $0x8  }
0x26f: {  	v3 =	vpop (erf)  }
0x270: {  	v1 =	vmul.f32 v3, v1  }
0x271: {  	v2 =	vmul.f32 v3, v2  }
0x272: {  	[tilespmem:v50+s7+$0x0] =	vst.idx.msk $0xffff, v1  }
0x273: {  	[tilespmem:v51+s7+$0x0] =	vst.idx.msk $0x7ff, v2  }
0x274: {  	v1 =	vld [tilespmem:$0x2BE]  }
0x275: {  	v2 =	vld [tilespmem:$0x2CE];
	_ =	sdelay $0x3  }
0x276: {  	v1 =	vmul.f32 $1.442695020e+00, v1  }
0x277: {  	v2 =	vmul.f32 $1.442695020e+00, v2  }
0x278: {  	(erf) = vpow2.f32 v1  }
0x279: {  	(erf) = vpow2.f32 v2;
	_ =	sdelay $0x7  }
0x27a: {  	v1 =	vpop (erf)  }
0x27b: {  	v2 =	vpop (erf)  }
0x27c: {  	(xrf2) =	vadd.scan.msk.f32 $0xffff, v1;
	v2 =	vnsel vm0, $0x0, v2  }
0x27d: {  	(xrf2) =	vadd.scan.msk.f32 $0xffff, v2;
	_ =	sdelay $0x8  }
0x27e: {  	v3, _, _ =	vpop (xrf2)  }
0x27f: {  	(v2sf) =	vpush v3, $0xF;
	v3, _, _ =	vpop (xrf2)  }
0x280: {  	(v2sf) =	vpush v3, $0xF;
	_ =	sdelay $0xd  }
0x281: {  	s19 =	spop (v2sf)  }
0x282: {  	s20 =	spop (v2sf)  }
0x283: {  	s10 =	sadd.f32 s20, s19;
	_ =	sdelay $0x1  }
0x284: {  	v3 =	vmov s10  }
0x285: {  	(erf) = vrcp.f32 v3;
	_ =	sdelay $0x8  }
0x286: {  	v3 =	vpop (erf)  }
0x287: {  	v1 =	vmul.f32 v3, v1  }
0x288: {  	v2 =	vmul.f32 v3, v2  }
0x289: {  	[tilespmem:v52+s7+$0x0] =	vst.idx.msk $0xffff, v1  }
0x28a: {  	[tilespmem:v53+s7+$0x0] =	vst.idx.msk $0x7ff, v2  }
0x28b: {  	v1 =	vld [tilespmem:$0x2D9]  }
0x28c: {  	v2 =	vld [tilespmem:$0x2E9];
	_ =	sdelay $0x3  }
0x28d: {  	v1 =	vmul.f32 $1.442695020e+00, v1  }
0x28e: {  	v2 =	vmul.f32 $1.442695020e+00, v2  }
0x28f: {  	(erf) = vpow2.f32 v1  }
0x290: {  	(erf) = vpow2.f32 v2;
	_ =	sdelay $0x7  }
0x291: {  	v1 =	vpop (erf)  }
0x292: {  	v2 =	vpop (erf)  }
0x293: {  	(xrf2) =	vadd.scan.msk.f32 $0xffff, v1;
	v2 =	vnsel vm0, $0x0, v2  }
0x294: {  	(xrf2) =	vadd.scan.msk.f32 $0xffff, v2;
	_ =	sdelay $0x8  }
0x295: {  	v3, _, _ =	vpop (xrf2)  }
0x296: {  	(v2sf) =	vpush v3, $0xF;
	v3, _, _ =	vpop (xrf2)  }
0x297: {  	(v2sf) =	vpush v3, $0xF;
	_ =	sdelay $0xd  }
0x298: {  	s21 =	spop (v2sf)  }
0x299: {  	s22 =	spop (v2sf)  }
0x29a: {  	s10 =	sadd.f32 s22, s21;
	_ =	sdelay $0x1  }
0x29b: {  	v3 =	vmov s10  }
0x29c: {  	(erf) = vrcp.f32 v3;
	_ =	sdelay $0x8  }
0x29d: {  	v3 =	vpop (erf)  }
0x29e: {  	v1 =	vmul.f32 v3, v1  }
0x29f: {  	v2 =	vmul.f32 v3, v2  }
0x2a0: {  	[tilespmem:v54+s7+$0x0] =	vst.idx.msk $0xffff, v1  }
0x2a1: {  	[tilespmem:v55+s7+$0x0] =	vst.idx.msk $0x7ff, v2  }
0x2a2: {  	v1 =	vld [tilespmem:$0x2F4]  }
0x2a3: {  	v2 =	vld [tilespmem:$0x304];
	_ =	sdelay $0x3  }
0x2a4: {  	v1 =	vmul.f32 $1.442695020e+00, v1  }
0x2a5: {  	v2 =	vmul.f32 $1.442695020e+00, v2  }
0x2a6: {  	(erf) = vpow2.f32 v1  }
0x2a7: {  	(erf) = vpow2.f32 v2;
	_ =	sdelay $0x7  }
0x2a8: {  	v1 =	vpop (erf)  }
0x2a9: {  	v2 =	vpop (erf)  }
0x2aa: {  	(xrf2) =	vadd.scan.msk.f32 $0xffff, v1;
	v2 =	vnsel vm0, $0x0, v2  }
0x2ab: {  	(xrf2) =	vadd.scan.msk.f32 $0xffff, v2;
	_ =	sdelay $0x8  }
0x2ac: {  	v3, _, _ =	vpop (xrf2)  }
0x2ad: {  	(v2sf) =	vpush v3, $0xF;
	v3, _, _ =	vpop (xrf2)  }
0x2ae: {  	(v2sf) =	vpush v3, $0xF;
	_ =	sdelay $0xd  }
0x2af: {  	s23 =	spop (v2sf)  }
0x2b0: {  	s24 =	spop (v2sf)  }
0x2b1: {  	s10 =	sadd.f32 s24, s23;
	_ =	sdelay $0x1  }
0x2b2: {  	v3 =	vmov s10  }
0x2b3: {  	(erf) = vrcp.f32 v3;
	_ =	sdelay $0x8  }
0x2b4: {  	v3 =	vpop (erf)  }
0x2b5: {  	v1 =	vmul.f32 v3, v1  }
0x2b6: {  	v2 =	vmul.f32 v3, v2  }
0x2b7: {  	[tilespmem:v56+s7+$0x0] =	vst.idx.msk $0xffff, v1  }
0x2b8: {  	[tilespmem:v57+s7+$0x0] =	vst.idx.msk $0x7ff, v2  }
0x2b9: {  	v1 =	vld [tilespmem:$0x30F]  }
0x2ba: {  	v2 =	vld [tilespmem:$0x31F];
	_ =	sdelay $0x3  }
0x2bb: {  	v1 =	vmul.f32 $1.442695020e+00, v1  }
0x2bc: {  	v2 =	vmul.f32 $1.442695020e+00, v2  }
0x2bd: {  	(erf) = vpow2.f32 v1  }
0x2be: {  	(erf) = vpow2.f32 v2;
	_ =	sdelay $0x7  }
0x2bf: {  	v1 =	vpop (erf)  }
0x2c0: {  	v2 =	vpop (erf)  }
0x2c1: {  	(xrf2) =	vadd.scan.msk.f32 $0xffff, v1;
	v2 =	vnsel vm0, $0x0, v2  }
0x2c2: {  	(xrf2) =	vadd.scan.msk.f32 $0xffff, v2;
	_ =	sdelay $0x8  }
0x2c3: {  	v3, _, _ =	vpop (xrf2)  }
0x2c4: {  	(v2sf) =	vpush v3, $0xF;
	v3, _, _ =	vpop (xrf2)  }
0x2c5: {  	(v2sf) =	vpush v3, $0xF;
	_ =	sdelay $0xd  }
0x2c6: {  	s25 =	spop (v2sf)  }
0x2c7: {  	s26 =	spop (v2sf)  }
0x2c8: {  	s10 =	sadd.f32 s26, s25;
	_ =	sdelay $0x1  }
0x2c9: {  	v3 =	vmov s10  }
0x2ca: {  	(erf) = vrcp.f32 v3;
	_ =	sdelay $0x8  }
0x2cb: {  	v3 =	vpop (erf)  }
0x2cc: {  	v1 =	vmul.f32 v3, v1  }
0x2cd: {  	v2 =	vmul.f32 v3, v2  }
0x2ce: {  	[tilespmem:v58+s7+$0x0] =	vst.idx.msk $0xffff, v1  }
0x2cf: {  	[tilespmem:v59+s7+$0x0] =	vst.idx.msk $0x7ff, v2  }
0x2d0: {  	v1 =	vld [tilespmem:$0x32A]  }
0x2d1: {  	v2 =	vld [tilespmem:$0x33A];
	_ =	sdelay $0x3  }
0x2d2: {  	v1 =	vmul.f32 $1.442695020e+00, v1  }
0x2d3: {  	v2 =	vmul.f32 $1.442695020e+00, v2  }
0x2d4: {  	(erf) = vpow2.f32 v1  }
0x2d5: {  	(erf) = vpow2.f32 v2;
	_ =	sdelay $0x7  }
0x2d6: {  	v1 =	vpop (erf)  }
0x2d7: {  	v2 =	vpop (erf)  }
0x2d8: {  	(xrf2) =	vadd.scan.msk.f32 $0xffff, v1;
	v2 =	vnsel vm0, $0x0, v2  }
0x2d9: {  	(xrf2) =	vadd.scan.msk.f32 $0xffff, v2;
	_ =	sdelay $0x8  }
0x2da: {  	v3, _, _ =	vpop (xrf2)  }
0x2db: {  	(v2sf) =	vpush v3, $0xF;
	v3, _, _ =	vpop (xrf2)  }
0x2dc: {  	(v2sf) =	vpush v3, $0xF;
	_ =	sdelay $0xd  }
0x2dd: {  	s28 =	spop (v2sf)  }
0x2de: {  	s29 =	spop (v2sf)  }
0x2df: {  	s10 =	sadd.f32 s29, s28;
	_ =	sdelay $0x1  }
0x2e0: {  	v3 =	vmov s10  }
0x2e1: {  	(erf) = vrcp.f32 v3;
	_ =	sdelay $0x8  }
0x2e2: {  	v3 =	vpop (erf)  }
0x2e3: {  	v1 =	vmul.f32 v3, v1  }
0x2e4: {  	v2 =	vmul.f32 v3, v2  }
0x2e5: {  	[tilespmem:v60+s7+$0x0] =	vst.idx.msk $0xffff, v1  }
0x2e6: {  	[tilespmem:v61+s7+$0x0] =	vst.idx.msk $0x7ff, v2  }
0x2e7: {  	v1 =	vld [tilespmem:$0x345]  }
0x2e8: {  	v2 =	vld [tilespmem:$0x355];
	_ =	sdelay $0x3  }
0x2e9: {  	v1 =	vmul.f32 $1.442695020e+00, v1  }
0x2ea: {  	v2 =	vmul.f32 $1.442695020e+00, v2  }
0x2eb: {  	(erf) = vpow2.f32 v1  }
0x2ec: {  	(erf) = vpow2.f32 v2;
	_ =	sdelay $0x7  }
0x2ed: {  	v1 =	vpop (erf)  }
0x2ee: {  	v2 =	vpop (erf)  }
0x2ef: {  	(xrf2) =	vadd.scan.msk.f32 $0xffff, v1;
	v2 =	vnsel vm0, $0x0, v2  }
0x2f0: {  	(xrf2) =	vadd.scan.msk.f32 $0xffff, v2;
	_ =	sdelay $0x8  }
0x2f1: {  	v3, _, _ =	vpop (xrf2)  }
0x2f2: {  	(v2sf) =	vpush v3, $0xF;
	v3, _, _ =	vpop (xrf2)  }
0x2f3: {  	(v2sf) =	vpush v3, $0xF;
	_ =	sdelay $0xd  }
0x2f4: {  	s30 =	spop (v2sf)  }
0x2f5: {  	s31 =	spop (v2sf)  }
0x2f6: {  	s10 =	sadd.f32 s31, s30;
	_ =	sdelay $0x1  }
0x2f7: {  	v3 =	vmov s10  }
0x2f8: {  	(erf) = vrcp.f32 v3;
	_ =	sdelay $0x8  }
0x2f9: {  	v3 =	vpop (erf)  }
0x2fa: {  	v1 =	vmul.f32 v3, v1  }
0x2fb: {  	v2 =	vmul.f32 v3, v2  }
0x2fc: {  	[tilespmem:v62+s7+$0x0] =	vst.idx.msk $0xffff, v1  }
0x2fd: {  	[tilespmem:v63+s7+$0x0] =	vst.idx.msk $0x7ff, v2  }
0x2fe: {  	v1 =	vld [tilespmem:$0x360]  }
0x2ff: {  	v2 =	vld [tilespmem:$0x370];
	_ =	sdelay $0x3  }
0x300: {  	v1 =	vmul.f32 $1.442695020e+00, v1  }
0x301: {  	v2 =	vmul.f32 $1.442695020e+00, v2  }
0x302: {  	(erf) = vpow2.f32 v1  }
0x303: {  	(erf) = vpow2.f32 v2;
	_ =	sdelay $0x7  }
0x304: {  	v1 =	vpop (erf)  }
0x305: {  	v2 =	vpop (erf)  }
0x306: {  	(xrf2) =	vadd.scan.msk.f32 $0xffff, v1;
	v2 =	vnsel vm0, $0x0, v2  }
0x307: {  	(xrf2) =	vadd.scan.msk.f32 $0xffff, v2;
	_ =	sdelay $0x8  }
0x308: {  	v3, _, _ =	vpop (xrf2)  }
0x309: {  	(v2sf) =	vpush v3, $0xF;
	v3, _, _ =	vpop (xrf2)  }
0x30a: {  	(v2sf) =	vpush v3, $0xF;
	_ =	sdelay $0xd  }
0x30b: {  	s12 =	spop (v2sf)  }
0x30c: {  	s13 =	spop (v2sf)  }
0x30d: {  	s10 =	sadd.f32 s13, s12;
	_ =	sdelay $0x1  }
0x30e: {  	v3 =	vmov s10  }
0x30f: {  	(erf) = vrcp.f32 v3;
	_ =	sdelay $0x6  }
0x310: {  	v3 =	vor.u32 $0x400, v0  }
0x311: {  	v4 =	vor.u32 $0x410, v0  }
0x312: {  	v5 =	vpop (erf)  }
0x313: {  	v1 =	vmul.f32 v5, v1  }
0x314: {  	v2 =	vmul.f32 v5, v2  }
0x315: {  	[tilespmem:v3+s7+$0x0] =	vst.idx.msk $0xffff, v1  }
0x316: {  	[tilespmem:v4+s7+$0x0] =	vst.idx.msk $0x7ff, v2  }
0x317: {  	v1 =	vld [tilespmem:$0x37B]  }
0x318: {  	v2 =	vld [tilespmem:$0x38B];
	_ =	sdelay $0x3  }
0x319: {  	v1 =	vmul.f32 $1.442695020e+00, v1  }
0x31a: {  	v2 =	vmul.f32 $1.442695020e+00, v2  }
0x31b: {  	(erf) = vpow2.f32 v1  }
0x31c: {  	(erf) = vpow2.f32 v2;
	_ =	sdelay $0x7  }
0x31d: {  	v1 =	vpop (erf)  }
0x31e: {  	v2 =	vpop (erf)  }
0x31f: {  	(xrf2) =	vadd.scan.msk.f32 $0xffff, v1;
	v2 =	vnsel vm0, $0x0, v2  }
0x320: {  	(xrf2) =	vadd.scan.msk.f32 $0xffff, v2;
	_ =	sdelay $0x8  }
0x321: {  	v3, _, _ =	vpop (xrf2)  }
0x322: {  	(v2sf) =	vpush v3, $0xF;
	v3, _, _ =	vpop (xrf2)  }
0x323: {  	(v2sf) =	vpush v3, $0xF;
	_ =	sdelay $0xd  }
0x324: {  	s14 =	spop (v2sf)  }
0x325: {  	s15 =	spop (v2sf)  }
0x326: {  	s10 =	sadd.f32 s15, s14;
	_ =	sdelay $0x1  }
0x327: {  	v3 =	vmov s10  }
0x328: {  	(erf) = vrcp.f32 v3;
	_ =	sdelay $0x6  }
0x329: {  	v3 =	vor.u32 $0x420, v0  }
0x32a: {  	v4 =	vor.u32 $0x430, v0  }
0x32b: {  	v5 =	vpop (erf)  }
0x32c: {  	v1 =	vmul.f32 v5, v1  }
0x32d: {  	v2 =	vmul.f32 v5, v2  }
0x32e: {  	[tilespmem:v3+s7+$0x0] =	vst.idx.msk $0xffff, v1  }
0x32f: {  	[tilespmem:v4+s7+$0x0] =	vst.idx.msk $0x7ff, v2  }
0x330: {  	v1 =	vld [tilespmem:$0x396]  }
0x331: {  	v2 =	vld [tilespmem:$0x3A6];
	_ =	sdelay $0x3  }
0x332: {  	v1 =	vmul.f32 $1.442695020e+00, v1  }
0x333: {  	v2 =	vmul.f32 $1.442695020e+00, v2  }
0x334: {  	(erf) = vpow2.f32 v1  }
0x335: {  	(erf) = vpow2.f32 v2;
	_ =	sdelay $0x7  }
0x336: {  	v1 =	vpop (erf)  }
0x337: {  	v2 =	vpop (erf)  }
0x338: {  	(xrf2) =	vadd.scan.msk.f32 $0xffff, v1;
	v2 =	vnsel vm0, $0x0, v2  }
0x339: {  	(xrf2) =	vadd.scan.msk.f32 $0xffff, v2;
	_ =	sdelay $0x8  }
0x33a: {  	v3, _, _ =	vpop (xrf2)  }
0x33b: {  	(v2sf) =	vpush v3, $0xF;
	v3, _, _ =	vpop (xrf2)  }
0x33c: {  	(v2sf) =	vpush v3, $0xF;
	_ =	sdelay $0xd  }
0x33d: {  	s16 =	spop (v2sf)  }
0x33e: {  	s17 =	spop (v2sf)  }
0x33f: {  	s10 =	sadd.f32 s17, s16;
	_ =	sdelay $0x1  }
0x340: {  	v3 =	vmov s10  }
0x341: {  	(erf) = vrcp.f32 v3;
	_ =	sdelay $0x6  }
0x342: {  	v3 =	vor.u32 $0x440, v0  }
0x343: {  	v4 =	vor.u32 $0x450, v0  }
0x344: {  	v5 =	vpop (erf)  }
0x345: {  	v1 =	vmul.f32 v5, v1  }
0x346: {  	v2 =	vmul.f32 v5, v2  }
0x347: {  	[tilespmem:v3+s7+$0x0] =	vst.idx.msk $0xffff, v1  }
0x348: {  	[tilespmem:v4+s7+$0x0] =	vst.idx.msk $0x7ff, v2  }
0x349: {  	v1 =	vld [tilespmem:$0x3B1]  }
0x34a: {  	v2 =	vld [tilespmem:$0x3C1];
	_ =	sdelay $0x3  }
0x34b: {  	v1 =	vmul.f32 $1.442695020e+00, v1  }
0x34c: {  	v2 =	vmul.f32 $1.442695020e+00, v2  }
0x34d: {  	(erf) = vpow2.f32 v1  }
0x34e: {  	(erf) = vpow2.f32 v2;
	_ =	sdelay $0x7  }
0x34f: {  	v1 =	vpop (erf)  }
0x350: {  	v2 =	vpop (erf)  }
0x351: {  	(xrf2) =	vadd.scan.msk.f32 $0xffff, v1;
	v2 =	vnsel vm0, $0x0, v2  }
0x352: {  	(xrf2) =	vadd.scan.msk.f32 $0xffff, v2;
	_ =	sdelay $0x8  }
0x353: {  	v3, _, _ =	vpop (xrf2)  }
0x354: {  	(v2sf) =	vpush v3, $0xF;
	v3, _, _ =	vpop (xrf2)  }
0x355: {  	(v2sf) =	vpush v3, $0xF;
	_ =	sdelay $0xd  }
0x356: {  	s18 =	spop (v2sf)  }
0x357: {  	s19 =	spop (v2sf)  }
0x358: {  	s10 =	sadd.f32 s19, s18;
	_ =	sdelay $0x1  }
0x359: {  	v3 =	vmov s10  }
0x35a: {  	(erf) = vrcp.f32 v3;
	_ =	sdelay $0x6  }
0x35b: {  	v3 =	vor.u32 $0x460, v0  }
0x35c: {  	v4 =	vor.u32 $0x470, v0  }
0x35d: {  	v5 =	vpop (erf)  }
0x35e: {  	v1 =	vmul.f32 v5, v1  }
0x35f: {  	v2 =	vmul.f32 v5, v2  }
0x360: {  	[tilespmem:v3+s7+$0x0] =	vst.idx.msk $0xffff, v1  }
0x361: {  	[tilespmem:v4+s7+$0x0] =	vst.idx.msk $0x7ff, v2  }
0x362: {  	v1 =	vld [tilespmem:$0x3CC]  }
0x363: {  	v2 =	vld [tilespmem:$0x3DC];
	_ =	sdelay $0x3  }
0x364: {  	v1 =	vmul.f32 $1.442695020e+00, v1  }
0x365: {  	v2 =	vmul.f32 $1.442695020e+00, v2  }
0x366: {  	(erf) = vpow2.f32 v1  }
0x367: {  	(erf) = vpow2.f32 v2;
	_ =	sdelay $0x7  }
0x368: {  	v1 =	vpop (erf)  }
0x369: {  	v2 =	vpop (erf)  }
0x36a: {  	(xrf2) =	vadd.scan.msk.f32 $0xffff, v1;
	v2 =	vnsel vm0, $0x0, v2  }
0x36b: {  	(xrf2) =	vadd.scan.msk.f32 $0xffff, v2;
	_ =	sdelay $0x8  }
0x36c: {  	v3, _, _ =	vpop (xrf2)  }
0x36d: {  	(v2sf) =	vpush v3, $0xF;
	v3, _, _ =	vpop (xrf2)  }
0x36e: {  	(v2sf) =	vpush v3, $0xF;
	_ =	sdelay $0xd  }
0x36f: {  	s20 =	spop (v2sf)  }
0x370: {  	s21 =	spop (v2sf)  }
0x371: {  	s10 =	sadd.f32 s21, s20;
	_ =	sdelay $0x1  }
0x372: {  	v3 =	vmov s10  }
0x373: {  	(erf) = vrcp.f32 v3;
	_ =	sdelay $0x6  }
0x374: {  	v3 =	vor.u32 $0x480, v0  }
0x375: {  	v4 =	vor.u32 $0x490, v0  }
0x376: {  	v5 =	vpop (erf)  }
0x377: {  	v1 =	vmul.f32 v5, v1  }
0x378: {  	v2 =	vmul.f32 v5, v2  }
0x379: {  	[tilespmem:v3+s7+$0x0] =	vst.idx.msk $0xffff, v1  }
0x37a: {  	[tilespmem:v4+s7+$0x0] =	vst.idx.msk $0x7ff, v2  }
0x37b: {  	v1 =	vld [tilespmem:$0x3E7]  }
0x37c: {  	v2 =	vld [tilespmem:$0x3F7];
	_ =	sdelay $0x3  }
0x37d: {  	v1 =	vmul.f32 $1.442695020e+00, v1  }
0x37e: {  	v2 =	vmul.f32 $1.442695020e+00, v2  }
0x37f: {  	(erf) = vpow2.f32 v1  }
0x380: {  	(erf) = vpow2.f32 v2;
	_ =	sdelay $0x7  }
0x381: {  	v1 =	vpop (erf)  }
0x382: {  	v2 =	vpop (erf)  }
0x383: {  	(xrf2) =	vadd.scan.msk.f32 $0xffff, v1;
	v2 =	vnsel vm0, $0x0, v2  }
0x384: {  	(xrf2) =	vadd.scan.msk.f32 $0xffff, v2;
	_ =	sdelay $0x8  }
0x385: {  	v3, _, _ =	vpop (xrf2)  }
0x386: {  	(v2sf) =	vpush v3, $0xF;
	v3, _, _ =	vpop (xrf2)  }
0x387: {  	(v2sf) =	vpush v3, $0xF;
	_ =	sdelay $0xd  }
0x388: {  	s22 =	spop (v2sf)  }
0x389: {  	s23 =	spop (v2sf)  }
0x38a: {  	s10 =	sadd.f32 s23, s22;
	_ =	sdelay $0x1  }
0x38b: {  	v3 =	vmov s10  }
0x38c: {  	(erf) = vrcp.f32 v3;
	_ =	sdelay $0x6  }
0x38d: {  	v3 =	vor.u32 $0x4A0, v0  }
0x38e: {  	v4 =	vor.u32 $0x4B0, v0  }
0x38f: {  	v5 =	vpop (erf)  }
0x390: {  	v1 =	vmul.f32 v5, v1  }
0x391: {  	v2 =	vmul.f32 v5, v2  }
0x392: {  	[tilespmem:v3+s7+$0x0] =	vst.idx.msk $0xffff, v1  }
0x393: {  	[tilespmem:v4+s7+$0x0] =	vst.idx.msk $0x7ff, v2  }
0x394: {  	v1 =	vld [tilespmem:$0x402]  }
0x395: {  	v2 =	vld [tilespmem:$0x412];
	_ =	sdelay $0x3  }
0x396: {  	v1 =	vmul.f32 $1.442695020e+00, v1  }
0x397: {  	v2 =	vmul.f32 $1.442695020e+00, v2  }
0x398: {  	(erf) = vpow2.f32 v1  }
0x399: {  	(erf) = vpow2.f32 v2;
	_ =	sdelay $0x7  }
0x39a: {  	v1 =	vpop (erf)  }
0x39b: {  	v2 =	vpop (erf)  }
0x39c: {  	(xrf2) =	vadd.scan.msk.f32 $0xffff, v1;
	v2 =	vnsel vm0, $0x0, v2  }
0x39d: {  	(xrf2) =	vadd.scan.msk.f32 $0xffff, v2;
	_ =	sdelay $0x8  }
0x39e: {  	v3, _, _ =	vpop (xrf2)  }
0x39f: {  	(v2sf) =	vpush v3, $0xF;
	v3, _, _ =	vpop (xrf2)  }
0x3a0: {  	(v2sf) =	vpush v3, $0xF;
	_ =	sdelay $0xd  }
0x3a1: {  	s24 =	spop (v2sf)  }
0x3a2: {  	s25 =	spop (v2sf)  }
0x3a3: {  	s10 =	sadd.f32 s25, s24;
	_ =	sdelay $0x1  }
0x3a4: {  	v3 =	vmov s10  }
0x3a5: {  	(erf) = vrcp.f32 v3;
	_ =	sdelay $0x6  }
0x3a6: {  	v3 =	vor.u32 $0x4C0, v0  }
0x3a7: {  	v4 =	vor.u32 $0x4D0, v0  }
0x3a8: {  	v5 =	vpop (erf)  }
0x3a9: {  	v1 =	vmul.f32 v5, v1  }
0x3aa: {  	v2 =	vmul.f32 v5, v2  }
0x3ab: {  	[tilespmem:v3+s7+$0x0] =	vst.idx.msk $0xffff, v1  }
0x3ac: {  	[tilespmem:v4+s7+$0x0] =	vst.idx.msk $0x7ff, v2  }
0x3ad: {  	v1 =	vld [tilespmem:$0x41D]  }
0x3ae: {  	v2 =	vld [tilespmem:$0x42D];
	_ =	sdelay $0x3  }
0x3af: {  	v1 =	vmul.f32 $1.442695020e+00, v1  }
0x3b0: {  	v2 =	vmul.f32 $1.442695020e+00, v2  }
0x3b1: {  	(erf) = vpow2.f32 v1  }
0x3b2: {  	(erf) = vpow2.f32 v2;
	_ =	sdelay $0x7  }
0x3b3: {  	v1 =	vpop (erf)  }
0x3b4: {  	v2 =	vpop (erf)  }
0x3b5: {  	(xrf2) =	vadd.scan.msk.f32 $0xffff, v1;
	v2 =	vnsel vm0, $0x0, v2  }
0x3b6: {  	(xrf2) =	vadd.scan.msk.f32 $0xffff, v2;
	_ =	sdelay $0x8  }
0x3b7: {  	v3, _, _ =	vpop (xrf2)  }
0x3b8: {  	(v2sf) =	vpush v3, $0xF;
	v3, _, _ =	vpop (xrf2)  }
0x3b9: {  	(v2sf) =	vpush v3, $0xF;
	_ =	sdelay $0xd  }
0x3ba: {  	s26 =	spop (v2sf)  }
0x3bb: {  	s28 =	spop (v2sf)  }
0x3bc: {  	s10 =	sadd.f32 s28, s26;
	_ =	sdelay $0x1  }
0x3bd: {  	v3 =	vmov s10  }
0x3be: {  	(erf) = vrcp.f32 v3;
	_ =	sdelay $0x6  }
0x3bf: {  	v3 =	vor.u32 $0x4E0, v0  }
0x3c0: {  	v4 =	vor.u32 $0x4F0, v0  }
0x3c1: {  	v5 =	vpop (erf)  }
0x3c2: {  	v1 =	vmul.f32 v5, v1  }
0x3c3: {  	v2 =	vmul.f32 v5, v2  }
0x3c4: {  	[tilespmem:v3+s7+$0x0] =	vst.idx.msk $0xffff, v1  }
0x3c5: {  	s29 =	rddreg [dreg:$0x7];
	[tilespmem:v4+s7+$0x0] =	vst.idx.msk $0x7ff, v2  }
0x3c6: {  	[spmem:s29] =	stream.linear.scatter [tilespmem:s7], [sflag:$0x2], $0x500, $0x38;
	[tilespmem:$0x5048] =	vst v63  }
0x3c7: {  	_ =	swait.ge [sflag:s5], $0x500  }
0x3c8: {  	[sflag:s5] =	ssyncset.done $0x0  }
0x3c9: {  	[sflag:s5] =	ssyncadd.s32 $0xFFFFFB00  }
0x3ca: {  	[bflag:$0x0] =	sbarrier.arrive $0xFFFF  }
0x3cb: {  	s30 =	rddreg [dreg:$0x8]  }
0x3cc: {  	[tilespmem:s8], [sflag:$0x1] =	stream.indirect.gather [spmem:s1], $0x20, s6, s30, $0xb8;
	[tilespmem:$0x5048] =	vst v63  }
0x3cd: {  	_ =	swait.ge [sflag:s9], $0x4000  }
0x3ce: {  	p0 =	sne.s32 s4, $0x1;
	[sflag:s9] =	ssyncset.done $0x0  }
.Ltmp0:
0x3cf: {  	s31 =	rddreg [dreg:$0x9];
	[sflag:s9] =	ssyncadd.s32 $0xFFFFC000;
	(pc) =	sbr.rel @p0 .LBB2_1-.Ltmp0, $4  }
0x3d0: {  	[hbm4b:s31+s2] =	stream.linear.scatter [tilespmem:s8], [sflag:$0x2], $0x4000, $0x38;
	[tilespmem:$0x5048] =	vst v63  }
0x3d1: {  	_ =	swait.ge [sflag:s5], $0x4000  }
0x3d2: {  	[sflag:s5] =	ssyncset.done $0x0  }
0x3d3: {  	s4 =	sadd.s32 $0xFFFFFFFF, s4;
	[sflag:s5] =	ssyncadd.s32 $0xFFFFC000  }
0x3d4: {  	_ =	sfence.sel $0x180000  }
0x3d5: {  	[bflag:$0x0] =	sbarrier.arrive $0xFFFF  }
0x3d6: {  	p0 =	sne.s32 s3, $0x0;
	_ =	strace $0x90000047  }
0x3d7: {  	s0 =	sadd.s32 @!p0 $0x100000, s0;
	[bflag:$0x2] =	sbarrier.arrive $0xFFFF  }
0x3d8: {  	[sflag:s0] =	ssyncadd.tile.s32 @!p0 $0x1;
	_ =	shalt  }
.Lfunc_end2:
_tile_overlayer_lowered:
.L_overlay_start_2:
0x3d9: {  	(tag) =	ssettag $0x2  }
0x3da: {  	s0 =	rddreg [dreg:$0x0];
	s2 =	stileid.u32  }
0x3db: {  	s1 =	rddreg [dreg:$0x1];
	p0 =	sne.s32 s2, $0x0  }
0x3dc: {  	s3 =	rddreg [dreg:$0x2];
	[bflag:$0x3] =	sbarrier.arrive $0xFFFF;
	s2 =	simm.s32 @!p0 $0x1C02  }
0x3dd: {  	[timem:s3], [sflag:s2] =	dma.local @!p0 [hbm:s0], s1  }
0x3de: {  	s0 =	simm.s32 @!p0 $0x2  }
0x3df: {  	_ =	swait.ge @!p0 [sflag:s0], s1  }
0x3e0: {  	s1 =	ssub.s32 @!p0 $0x0, s1;
	[sflag:s0] =	ssyncset.done @!p0 $0x0  }
0x3e1: {  	[sflag:s0] =	ssyncadd.s32 @!p0 s1  }
0x3e2: {  	[bflag:$0x3] =	sbarrier.arrive $0xFFFF  }
0x3e3: {  	_ =	shalt  }

</sc_bundles>
